<compile_context>
chip_gen: v7x
topology: tpu7x:2x2x1
jax: 0.10.2.dev20260603
libtpu: 0.0.44.dev20260713+nightly
codegen_flags: <defaults>
</compile_context>

<pallas_src>
import dataclasses
import functools

import jax
import jax.numpy as jnp
from jax import lax
from jax.experimental import pallas as pl
from jax.experimental.pallas import tpu as pltpu
from jax.experimental.pallas import tpu_sc as plsc

NC = 2
NS = 16
NW = NC * NS
L = 16


def _sc_params():
    cp = pltpu.CompilerParams()
    if "needs_layout_passes" in pltpu.CompilerParams.__dataclass_fields__:
        cp = dataclasses.replace(cp, needs_layout_passes=False)
    return cp


def _sc_mesh():
    return plsc.VectorSubcoreMesh(
        core_axis_name="c", subcore_axis_name="s",
        num_cores=NC, num_subcores=NS)


def _pick_window(ew: int) -> int:
    for w in range(128, 0, -8):
        if ew % w == 0:
            return w
    return 8


def _sc_degree(dst_flat, n):
    ew = dst_flat.shape[1]

    @functools.partial(
        pl.kernel,
        mesh=_sc_mesh(),
        out_type=jax.ShapeDtypeStruct((NW, n), jnp.float32),
        compiler_params=_sc_params(),
        scratch_types=[
            pltpu.VMEM((ew,), jnp.int32),
            pltpu.VMEM((n,), jnp.float32),
        ],
    )
    def k(dst_hbm, out_hbm, idx_v, acc_v):
        wid = lax.axis_index("s") * NC + lax.axis_index("c")
        zero = jnp.zeros((L,), jnp.float32)

        @pl.loop(0, n, step=L)
        def _(i):
            acc_v[pl.ds(i, L)] = zero

        pltpu.sync_copy(dst_hbm.at[wid], idx_v)
        ones = jnp.ones((L,), jnp.float32)

        @pl.loop(0, ew, step=L)
        def _(i):
            idx = idx_v[pl.ds(i, L)]
            plsc.addupdate_scatter(acc_v, [idx], ones)

        pltpu.sync_copy(acc_v, out_hbm.at[wid])

    return k(dst_flat)


def _sc_hop(x, src_flat, dst_r, n, d):
    nwin, w = dst_r.shape[1], dst_r.shape[2]
    ch = (n // NS) & ~7
    tail = n - ch * NS
    assert tail % 8 == 0 and tail <= ch

    @functools.partial(
        pl.kernel,
        mesh=_sc_mesh(),
        out_type=jax.ShapeDtypeStruct((NC, n, d), jnp.float32),
        compiler_params=_sc_params(),
        scratch_types=[
            pltpu.VMEM((nwin * w,), jnp.int32),
            pltpu.VMEM((nwin, w), jnp.int32),
            pltpu.VMEM((w, d), jnp.float32),
            pltpu.VMEM((w, d), jnp.float32),
            pltpu.VMEM_SHARED((n, d), jnp.float32),
            pltpu.SemaphoreType.DMA,
            pltpu.SemaphoreType.DMA,
        ],
    )
    def k(x_hbm, src_hbm, dst_hbm, zero_hbm, out_hbm,
          src_v, dst_v, buf_a, buf_b, acc_sh, sem_a, sem_b):
        cid = lax.axis_index("c")
        sid = lax.axis_index("s")
        wid = sid * NC + cid

        pltpu.sync_copy(src_hbm.at[wid], src_v)
        pltpu.sync_copy(dst_hbm.at[wid], dst_v)

        pltpu.sync_copy(zero_hbm, acc_sh.at[pl.ds(sid * ch, ch)])

        @pl.when(sid == NS - 1)
        def _():
            pltpu.sync_copy(zero_hbm.at[pl.ds(0, tail)],
                            acc_sh.at[pl.ds(NS * ch, tail)])

        plsc.subcore_barrier()

        pltpu.async_copy(x_hbm.at[src_v.at[pl.ds(0, w)]], buf_a, sem_a)

        @pl.loop(0, nwin, step=2)
        def _(j):
            @pl.when(j + 1 < nwin)
            def _():
                pltpu.async_copy(
                    x_hbm.at[src_v.at[pl.ds((j + 1) * w, w)]], buf_b, sem_b)

            pltpu.make_async_copy(
                x_hbm.at[src_v.at[pl.ds(j * w, w)]], buf_a, sem_a).wait()
            pltpu.sync_copy(buf_a, acc_sh.at[dst_v.at[j]], add=True)

            @pl.when(j + 2 < nwin)
            def _():
                pltpu.async_copy(
                    x_hbm.at[src_v.at[pl.ds((j + 2) * w, w)]], buf_a, sem_a)

            @pl.when(j + 1 < nwin)
            def _():
                pltpu.make_async_copy(
                    x_hbm.at[src_v.at[pl.ds((j + 1) * w, w)]],
                    buf_b, sem_b).wait()
                pltpu.sync_copy(buf_b, acc_sh.at[dst_v.at[j + 1]], add=True)

        plsc.subcore_barrier()
        pltpu.sync_copy(acc_sh.at[pl.ds(sid * ch, ch)],
                        out_hbm.at[cid].at[pl.ds(sid * ch, ch)])

        @pl.when(sid == NS - 1)
        def _():
            pltpu.sync_copy(acc_sh.at[pl.ds(NS * ch, tail)],
                            out_hbm.at[cid].at[pl.ds(NS * ch, tail)])

    zeros = jnp.zeros((ch, d), jnp.float32)
    return k(x, src_flat, dst_r, zeros)


def _tc_scale(deg_parts, feat, n, d):
    def body(dp_ref, f_ref, x1_ref):
        nrm = lax.rsqrt(jnp.sum(dp_ref[...], axis=0))[:, None]
        x1_ref[...] = f_ref[...] * nrm

    return pl.pallas_call(
        body,
        out_shape=jax.ShapeDtypeStruct((n, d), jnp.float32),
    )(deg_parts, feat)


def _tc_mid(deg_parts, h_parts, n, d):
    def body(dp_ref, hp_ref, rst_ref, xn_ref):
        nrm = lax.rsqrt(jnp.sum(dp_ref[...], axis=0))[:, None]
        r = (hp_ref[0] + hp_ref[1]) * nrm
        rst_ref[...] = r
        xn_ref[...] = r * nrm

    return pl.pallas_call(
        body,
        out_shape=[
            jax.ShapeDtypeStruct((n, d), jnp.float32),
            jax.ShapeDtypeStruct((n, d), jnp.float32),
        ],
    )(deg_parts, h_parts)


def _tc_final(deg_parts, feat, rst1, h2_parts, w_stk, bias2, n, d, out_d):
    def body(dp_ref, f_ref, r1_ref, hp_ref, w_ref, b_ref, o_ref):
        nrm = lax.rsqrt(jnp.sum(dp_ref[...], axis=0))[:, None]
        r2 = (hp_ref[0] + hp_ref[1]) * nrm
        acc = jnp.dot(f_ref[...], w_ref[0],
                      preferred_element_type=jnp.float32)
        acc = acc + jnp.dot(r1_ref[...], w_ref[1],
                            preferred_element_type=jnp.float32)
        acc = acc + jnp.dot(r2, w_ref[2],
                            preferred_element_type=jnp.float32)
        o_ref[...] = acc + b_ref[...]

    return pl.pallas_call(
        body,
        out_shape=jax.ShapeDtypeStruct((n, out_d), jnp.float32),
    )(deg_parts, feat, rst1, h2_parts, w_stk, bias2)


def kernel(feat, edge_index, weight, bias):
    n, d = feat.shape
    out_d = weight.shape[0]
    e = edge_index.shape[1]
    assert e % NW == 0 and n % NS == 0
    ew = e // NW
    w = _pick_window(ew)
    nwin = ew // w

    src_flat = edge_index[0].reshape(NW, ew)
    dst_r = edge_index[1].reshape(NW, nwin, w)
    dst_flat = edge_index[1].reshape(NW, ew)

    deg_parts = _sc_degree(dst_flat, n)
    x1 = _tc_scale(deg_parts, feat, n, d)
    h1_parts = _sc_hop(x1, src_flat, dst_r, n, d)
    rst1, x2 = _tc_mid(deg_parts, h1_parts, n, d)
    h2_parts = _sc_hop(x2, src_flat, dst_r, n, d)

    w_stk = weight.T.reshape(3, d, out_d)
    bias2 = bias.reshape(1, out_d)
    return _tc_final(deg_parts, feat, rst1, h2_parts, w_stk, bias2,
                     n, d, out_d)

# --- scband reference (transcript-rebuilt; emitter-appended) ---
"""Pipeline reference for scband-tagconv-26216480375292 (READ-ONLY COPY).

The authoritative reference and input builder live on the scoring server;
editing this copy changes nothing except your own understanding.
"""

import jax, jax.numpy as jnp
import numpy as np

N = 10000
E = 320000
D = 128
K = 2
OUT = 128


def setup_inputs(seed: int = 0) -> dict:
    key = jax.random.key(seed)
    k1, k2, k3, k4 = jax.random.split(key, 4)
    feat = jax.random.normal(k1, (N, D), dtype=jnp.float32)
    edge_index = jax.random.randint(k2, (2, E), 0, N, dtype=jnp.int32)
    # Linear over concatenated [feat, A^1 feat, ..., A^K feat]: weight [OUT, D*(K+1)]
    weight = jax.random.normal(k3, (OUT, D * (K + 1)), dtype=jnp.float32) * (2.0 ** 0.5) / np.sqrt(D * (K + 1))
    bias = jnp.zeros((OUT,), dtype=jnp.float32)
    return {"feat": feat, "edge_index": edge_index, "weight": weight, "bias": bias}


def reference(feat, edge_index, weight, bias):
    src = edge_index[0]
    dst = edge_index[1]
    # in-degree based symmetric-ish norm (DGL TAGConv uses in_degrees on both sides)
    deg = jax.ops.segment_sum(jnp.ones((E,), dtype=jnp.float32), dst, num_segments=N)
    norm = jnp.power(deg, -0.5).reshape(N, 1)
    fstack = [feat]
    for _ in range(K):
        rst = fstack[-1] * norm
        # copy_src + sum: gather from src nodes, scatter-add into dst nodes
        msgs = jnp.take(rst, src, axis=0)
        h = jax.ops.segment_sum(msgs, dst, num_segments=N)
        rst = h * norm
        fstack.append(rst)
    cat = jnp.concatenate(fstack, axis=-1)
    out = cat @ weight.T + bias
    return out

if __name__ == "__main__":
    import jax
    _d = setup_inputs()
    print(jax.jit(kernel)(*tuple(_d.values())))

</pallas_src>

<mosaic_0001>
#map = affine_map<(d0, d1) -> (0, 0)>
module attributes {stable_mosaic.version = 14 : i64} {
  func.func @k(%arg0: i32, %arg1: i32, %arg2: memref<32x10000xi32, #tpu.memory_space<hbm>>, %arg3: memref<32x10000xf32, #tpu.memory_space<hbm>>, %arg4: memref<10000xi32, #tpu.memory_space<vmem>>, %arg5: memref<10000xf32, #tpu.memory_space<vmem>>) attributes {dimension_semantics = [#tpu.dimension_semantics<core_parallel>, #tpu.dimension_semantics<subcore_parallel>], iteration_bounds = array<i64: 2, 16>, scalar_prefetch = 0 : i64, scratch_operands = 2 : i64, tpu.core_type = #tpu.core_type<sc_vector_subcore>, window_params = [{transform_indices = #map}, {transform_indices = #map}]} {
    %mul3A = arith.constant 2 : i32
    %mul3A_0 = arith.muli %arg1, %mul3A : i32
    %add3A = arith.addi %mul3A_0, %arg0 : i32
    %broadcast_in_dim3A = arith.constant 0.000000e+00 : f32
    %broadcast_in_dim3A_1 = vector.broadcast %broadcast_in_dim3A : f32 to vector<16xf32>
    %scan3A = arith.constant 0 : i32
    %scan3A_2 = arith.constant 625 : i32
    %scan3A_3 = arith.addi %scan3A, %scan3A_2 : i32
    %scan3A_4 = arith.constant 1 : i32
    scf.for %scan3A_13 = %scan3A to %scan3A_3 step %scan3A_4  : i32 {
      %mul3A_14 = arith.constant 16 : i32
      %mul3A_15 = arith.muli %scan3A_13, %mul3A_14 : i32
      %add3A_16 = arith.constant 0 : i32
      %add3A_17 = arith.addi %add3A_16, %mul3A_15 : i32
      %swap3A = arith.index_cast %add3A_17 : i32 to index
      %swap3A_18 = tpu.vector_load %arg5[%swap3A] {strides = array<i32>} : memref<10000xf32, #tpu.memory_space<vmem>>, vector<16xf32>,
      tpu.vector_store %arg5[%swap3A], %broadcast_in_dim3A_1 {strides = array<i32>} : memref<10000xf32, #tpu.memory_space<vmem>>, vector<16xf32>,
    }
    %scan3A_5 = arith.constant 625 : i32
    "tpu.region"() ({
      %run_scoped3A = tpu.sem_alloc : memref<!tpu.dma_semaphore, #tpu.memory_space<semaphore_mem>>
      %dma_start3A = arith.constant 0 : i32
      %dma_start3A_13 = tpu.memref_slice %arg2[%add3A, %dma_start3A] : memref<32x10000xi32, #tpu.memory_space<hbm>> -> memref<1x10000xi32, #tpu.memory_space<hbm>>
      %dma_start3A_14 = tpu.memref_squeeze %dma_start3A_13 : memref<1x10000xi32, #tpu.memory_space<hbm>> -> memref<10000xi32, #tpu.memory_space<hbm>>
      %dma_start3A_15 = arith.constant 0 : i32
      %dma_start3A_16 = tpu.memref_slice %arg2[%add3A, %dma_start3A_15] : memref<32x10000xi32, #tpu.memory_space<hbm>> -> memref<1x10000xi32, #tpu.memory_space<hbm>>
      %dma_start3A_17 = tpu.memref_squeeze %dma_start3A_16 : memref<1x10000xi32, #tpu.memory_space<hbm>> -> memref<10000xi32, #tpu.memory_space<hbm>>
      tpu.enqueue_dma source(%dma_start3A_17 : memref<10000xi32, #tpu.memory_space<hbm>>) target(%arg4 : memref<10000xi32, #tpu.memory_space<vmem>>) target_semaphore(%run_scoped3A : memref<!tpu.dma_semaphore, #tpu.memory_space<semaphore_mem>>)
      %dma_wait3A = arith.constant 0 : i32
      %dma_wait3A_18 = tpu.memref_slice %arg2[%add3A, %dma_wait3A] : memref<32x10000xi32, #tpu.memory_space<hbm>> -> memref<1x10000xi32, #tpu.memory_space<hbm>>
      %dma_wait3A_19 = tpu.memref_squeeze %dma_wait3A_18 : memref<1x10000xi32, #tpu.memory_space<hbm>> -> memref<10000xi32, #tpu.memory_space<hbm>>
      %dma_wait3A_20 = arith.constant 0 : i32
      %dma_wait3A_21 = tpu.memref_slice %arg2[%add3A, %dma_wait3A_20] : memref<32x10000xi32, #tpu.memory_space<hbm>> -> memref<1x10000xi32, #tpu.memory_space<hbm>>
      %dma_wait3A_22 = tpu.memref_squeeze %dma_wait3A_21 : memref<1x10000xi32, #tpu.memory_space<hbm>> -> memref<10000xi32, #tpu.memory_space<hbm>>
      tpu.wait_dma2 semaphore(%run_scoped3A : memref<!tpu.dma_semaphore, #tpu.memory_space<semaphore_mem>>) src(%dma_wait3A_22 : memref<10000xi32, #tpu.memory_space<hbm>>) dst(%arg4 : memref<10000xi32, #tpu.memory_space<vmem>>)
      tpu.yield
    }) : () -> ()
    %broadcast_in_dim3A_6 = arith.constant 1.000000e+00 : f32
    %broadcast_in_dim3A_7 = vector.broadcast %broadcast_in_dim3A_6 : f32 to vector<16xf32>
    %scan3A_8 = arith.constant 0 : i32
    %scan3A_9 = arith.constant 625 : i32
    %scan3A_10 = arith.addi %scan3A_8, %scan3A_9 : i32
    %scan3A_11 = arith.constant 1 : i32
    scf.for %scan3A_13 = %scan3A_8 to %scan3A_10 step %scan3A_11  : i32 {
      %mul3A_14 = arith.constant 16 : i32
      %mul3A_15 = arith.muli %scan3A_13, %mul3A_14 : i32
      %add3A_16 = arith.constant 0 : i32
      %add3A_17 = arith.addi %add3A_16, %mul3A_15 : i32
      %get3A = arith.index_cast %add3A_17 : i32 to index
      %get3A_18 = tpu.vector_load %arg4[%get3A] {strides = array<i32>} : memref<10000xi32, #tpu.memory_space<vmem>>, vector<16xi32>,
      tpu.vector_store_idx %arg5[%get3A_18], %broadcast_in_dim3A_7 {add = true} : memref<10000xf32, #tpu.memory_space<vmem>>[vector<16xi32>], vector<16xf32>,
    }
    %scan3A_12 = arith.constant 625 : i32
    "tpu.region"() ({
      %run_scoped3A = tpu.sem_alloc : memref<!tpu.dma_semaphore, #tpu.memory_space<semaphore_mem>>
      %dma_start3A = arith.constant 0 : i32
      %dma_start3A_13 = tpu.memref_slice %arg3[%add3A, %dma_start3A] : memref<32x10000xf32, #tpu.memory_space<hbm>> -> memref<1x10000xf32, #tpu.memory_space<hbm>>
      %dma_start3A_14 = tpu.memref_squeeze %dma_start3A_13 : memref<1x10000xf32, #tpu.memory_space<hbm>> -> memref<10000xf32, #tpu.memory_space<hbm>>
      %dma_start3A_15 = arith.constant 0 : i32
      %dma_start3A_16 = tpu.memref_slice %arg3[%add3A, %dma_start3A_15] : memref<32x10000xf32, #tpu.memory_space<hbm>> -> memref<1x10000xf32, #tpu.memory_space<hbm>>
      %dma_start3A_17 = tpu.memref_squeeze %dma_start3A_16 : memref<1x10000xf32, #tpu.memory_space<hbm>> -> memref<10000xf32, #tpu.memory_space<hbm>>
      tpu.enqueue_dma source(%arg5 : memref<10000xf32, #tpu.memory_space<vmem>>) target(%dma_start3A_17 : memref<10000xf32, #tpu.memory_space<hbm>>) target_semaphore(%run_scoped3A : memref<!tpu.dma_semaphore, #tpu.memory_space<semaphore_mem>>)
      %dma_wait3A = arith.constant 0 : i32
      %dma_wait3A_18 = tpu.memref_slice %arg3[%add3A, %dma_wait3A] : memref<32x10000xf32, #tpu.memory_space<hbm>> -> memref<1x10000xf32, #tpu.memory_space<hbm>>
      %dma_wait3A_19 = tpu.memref_squeeze %dma_wait3A_18 : memref<1x10000xf32, #tpu.memory_space<hbm>> -> memref<10000xf32, #tpu.memory_space<hbm>>
      %dma_wait3A_20 = arith.constant 0 : i32
      %dma_wait3A_21 = tpu.memref_slice %arg3[%add3A, %dma_wait3A_20] : memref<32x10000xf32, #tpu.memory_space<hbm>> -> memref<1x10000xf32, #tpu.memory_space<hbm>>
      %dma_wait3A_22 = tpu.memref_squeeze %dma_wait3A_21 : memref<1x10000xf32, #tpu.memory_space<hbm>> -> memref<10000xf32, #tpu.memory_space<hbm>>
      tpu.wait_dma2 semaphore(%run_scoped3A : memref<!tpu.dma_semaphore, #tpu.memory_space<semaphore_mem>>) src(%arg5 : memref<10000xf32, #tpu.memory_space<vmem>>) dst(%dma_wait3A_22 : memref<10000xf32, #tpu.memory_space<hbm>>)
      tpu.yield
    }) : () -> ()
    return
  }
}

#map = affine_map<(d0, d1) -> (0, 0)>
#map1 = affine_map<(d0, d1) -> (0, 0, 0)>
module attributes {stable_mosaic.version = 14 : i64} {
  func.func @k(%arg0: i32, %arg1: i32, %arg2: memref<10000x128xf32, #tpu.memory_space<hbm>>, %arg3: memref<32x10000xi32, #tpu.memory_space<hbm>>, %arg4: memref<32x125x80xi32, #tpu.memory_space<hbm>>, %arg5: memref<624x128xf32, #tpu.memory_space<hbm>>, %arg6: memref<2x10000x128xf32, #tpu.memory_space<hbm>>, %arg7: memref<10000xi32, #tpu.memory_space<vmem>>, %arg8: memref<125x80xi32, #tpu.memory_space<vmem>>, %arg9: memref<80x128xf32, #tpu.memory_space<vmem>>, %arg10: memref<80x128xf32, #tpu.memory_space<vmem>>, %arg11: memref<10000x128xf32, #tpu.memory_space<vmem_shared>>, %arg12: memref<!tpu.dma_semaphore, #tpu.memory_space<semaphore_mem>>, %arg13: memref<!tpu.dma_semaphore, #tpu.memory_space<semaphore_mem>>) attributes {dimension_semantics = [#tpu.dimension_semantics<core_parallel>, #tpu.dimension_semantics<subcore_parallel>], iteration_bounds = array<i64: 2, 16>, scalar_prefetch = 0 : i64, scratch_operands = 7 : i64, tpu.core_type = #tpu.core_type<sc_vector_subcore>, window_params = [{transform_indices = #map}, {transform_indices = #map}, {transform_indices = #map1}, {transform_indices = #map}, {transform_indices = #map1}]} {
    %mul3A = arith.constant 2 : i32
    %mul3A_0 = arith.muli %arg1, %mul3A : i32
    %add3A = arith.addi %mul3A_0, %arg0 : i32
    "tpu.region"() ({
      %run_scoped3A = tpu.sem_alloc : memref<!tpu.dma_semaphore, #tpu.memory_space<semaphore_mem>>
      %dma_start3A_23 = arith.constant 0 : i32
      %dma_start3A_24 = tpu.memref_slice %arg3[%add3A, %dma_start3A_23] : memref<32x10000xi32, #tpu.memory_space<hbm>> -> memref<1x10000xi32, #tpu.memory_space<hbm>>
      %dma_start3A_25 = tpu.memref_squeeze %dma_start3A_24 : memref<1x10000xi32, #tpu.memory_space<hbm>> -> memref<10000xi32, #tpu.memory_space<hbm>>
      %dma_start3A_26 = arith.constant 0 : i32
      %dma_start3A_27 = tpu.memref_slice %arg3[%add3A, %dma_start3A_26] : memref<32x10000xi32, #tpu.memory_space<hbm>> -> memref<1x10000xi32, #tpu.memory_space<hbm>>
      %dma_start3A_28 = tpu.memref_squeeze %dma_start3A_27 : memref<1x10000xi32, #tpu.memory_space<hbm>> -> memref<10000xi32, #tpu.memory_space<hbm>>
      tpu.enqueue_dma source(%dma_start3A_28 : memref<10000xi32, #tpu.memory_space<hbm>>) target(%arg7 : memref<10000xi32, #tpu.memory_space<vmem>>) target_semaphore(%run_scoped3A : memref<!tpu.dma_semaphore, #tpu.memory_space<semaphore_mem>>)
      %dma_wait3A = arith.constant 0 : i32
      %dma_wait3A_29 = tpu.memref_slice %arg3[%add3A, %dma_wait3A] : memref<32x10000xi32, #tpu.memory_space<hbm>> -> memref<1x10000xi32, #tpu.memory_space<hbm>>
      %dma_wait3A_30 = tpu.memref_squeeze %dma_wait3A_29 : memref<1x10000xi32, #tpu.memory_space<hbm>> -> memref<10000xi32, #tpu.memory_space<hbm>>
      %dma_wait3A_31 = arith.constant 0 : i32
      %dma_wait3A_32 = tpu.memref_slice %arg3[%add3A, %dma_wait3A_31] : memref<32x10000xi32, #tpu.memory_space<hbm>> -> memref<1x10000xi32, #tpu.memory_space<hbm>>
      %dma_wait3A_33 = tpu.memref_squeeze %dma_wait3A_32 : memref<1x10000xi32, #tpu.memory_space<hbm>> -> memref<10000xi32, #tpu.memory_space<hbm>>
      tpu.wait_dma2 semaphore(%run_scoped3A : memref<!tpu.dma_semaphore, #tpu.memory_space<semaphore_mem>>) src(%dma_wait3A_33 : memref<10000xi32, #tpu.memory_space<hbm>>) dst(%arg7 : memref<10000xi32, #tpu.memory_space<vmem>>)
      tpu.yield
    }) : () -> ()
    "tpu.region"() ({
      %run_scoped3A = tpu.sem_alloc : memref<!tpu.dma_semaphore, #tpu.memory_space<semaphore_mem>>
      %dma_start3A_23 = arith.constant 0 : i32
      %dma_start3A_24 = arith.constant 0 : i32
      %dma_start3A_25 = tpu.memref_slice %arg4[%add3A, %dma_start3A_23, %dma_start3A_24] : memref<32x125x80xi32, #tpu.memory_space<hbm>> -> memref<1x125x80xi32, #tpu.memory_space<hbm>>
      %dma_start3A_26 = tpu.memref_squeeze %dma_start3A_25 : memref<1x125x80xi32, #tpu.memory_space<hbm>> -> memref<125x80xi32, #tpu.memory_space<hbm>>
      %dma_start3A_27 = arith.constant 0 : i32
      %dma_start3A_28 = arith.constant 0 : i32
      %dma_start3A_29 = tpu.memref_slice %arg4[%add3A, %dma_start3A_27, %dma_start3A_28] : memref<32x125x80xi32, #tpu.memory_space<hbm>> -> memref<1x125x80xi32, #tpu.memory_space<hbm>>
      %dma_start3A_30 = tpu.memref_squeeze %dma_start3A_29 : memref<1x125x80xi32, #tpu.memory_space<hbm>> -> memref<125x80xi32, #tpu.memory_space<hbm>>
      tpu.enqueue_dma source(%dma_start3A_30 : memref<125x80xi32, #tpu.memory_space<hbm>>) target(%arg8 : memref<125x80xi32, #tpu.memory_space<vmem>>) target_semaphore(%run_scoped3A : memref<!tpu.dma_semaphore, #tpu.memory_space<semaphore_mem>>)
      %dma_wait3A = arith.constant 0 : i32
      %dma_wait3A_31 = arith.constant 0 : i32
      %dma_wait3A_32 = tpu.memref_slice %arg4[%add3A, %dma_wait3A, %dma_wait3A_31] : memref<32x125x80xi32, #tpu.memory_space<hbm>> -> memref<1x125x80xi32, #tpu.memory_space<hbm>>
      %dma_wait3A_33 = tpu.memref_squeeze %dma_wait3A_32 : memref<1x125x80xi32, #tpu.memory_space<hbm>> -> memref<125x80xi32, #tpu.memory_space<hbm>>
      %dma_wait3A_34 = arith.constant 0 : i32
      %dma_wait3A_35 = arith.constant 0 : i32
      %dma_wait3A_36 = tpu.memref_slice %arg4[%add3A, %dma_wait3A_34, %dma_wait3A_35] : memref<32x125x80xi32, #tpu.memory_space<hbm>> -> memref<1x125x80xi32, #tpu.memory_space<hbm>>
      %dma_wait3A_37 = tpu.memref_squeeze %dma_wait3A_36 : memref<1x125x80xi32, #tpu.memory_space<hbm>> -> memref<125x80xi32, #tpu.memory_space<hbm>>
      tpu.wait_dma2 semaphore(%run_scoped3A : memref<!tpu.dma_semaphore, #tpu.memory_space<semaphore_mem>>) src(%dma_wait3A_37 : memref<125x80xi32, #tpu.memory_space<hbm>>) dst(%arg8 : memref<125x80xi32, #tpu.memory_space<vmem>>)
      tpu.yield
    }) : () -> ()
    %mul3A_1 = arith.constant 624 : i32
    %mul3A_2 = arith.muli %arg1, %mul3A_1 : i32
    "tpu.region"() ({
      %run_scoped3A = tpu.sem_alloc : memref<!tpu.dma_semaphore, #tpu.memory_space<semaphore_mem>>
      %dma_start3A_23 = arith.constant 0 : i32
      %dma_start3A_24 = tpu.memref_slice %arg11[%mul3A_2, %dma_start3A_23] : memref<10000x128xf32, #tpu.memory_space<vmem_shared>> -> memref<624x128xf32, #tpu.memory_space<vmem_shared>>
      tpu.enqueue_dma source(%arg5 : memref<624x128xf32, #tpu.memory_space<hbm>>) target(%dma_start3A_24 : memref<624x128xf32, #tpu.memory_space<vmem_shared>>) target_semaphore(%run_scoped3A : memref<!tpu.dma_semaphore, #tpu.memory_space<semaphore_mem>>)
      %dma_wait3A = arith.constant 0 : i32
      %dma_wait3A_25 = tpu.memref_slice %arg11[%mul3A_2, %dma_wait3A] : memref<10000x128xf32, #tpu.memory_space<vmem_shared>> -> memref<624x128xf32, #tpu.memory_space<vmem_shared>>
      tpu.wait_dma2 semaphore(%run_scoped3A : memref<!tpu.dma_semaphore, #tpu.memory_space<semaphore_mem>>) src(%arg5 : memref<624x128xf32, #tpu.memory_space<hbm>>) dst(%dma_wait3A_25 : memref<624x128xf32, #tpu.memory_space<vmem_shared>>)
      tpu.yield
    }) : () -> ()
    %eq3A = arith.constant 15 : i32
    %eq3A_3 = arith.cmpi eq, %arg1, %eq3A : i32
    %convert_element_type3A = arith.extui %eq3A_3 : i1 to i32
    %cond3A = arith.constant 0 : i32
    %cond3A_4 = arith.cmpi ne, %convert_element_type3A, %cond3A : i32
    scf.if %cond3A_4 {
      "tpu.region"() ({
        %run_scoped3A = tpu.sem_alloc : memref<!tpu.dma_semaphore, #tpu.memory_space<semaphore_mem>>
        %dma_start3A_23 = arith.constant 9984 : i32
        %dma_start3A_24 = arith.constant 0 : i32
        %dma_start3A_25 = tpu.memref_slice %arg11[%dma_start3A_23, %dma_start3A_24] : memref<10000x128xf32, #tpu.memory_space<vmem_shared>> -> memref<16x128xf32, #tpu.memory_space<vmem_shared>>
        %dma_start3A_26 = arith.constant 0 : i32
        %dma_start3A_27 = arith.constant 0 : i32
        %dma_start3A_28 = tpu.memref_slice %arg5[%dma_start3A_26, %dma_start3A_27] : memref<624x128xf32, #tpu.memory_space<hbm>> -> memref<16x128xf32, #tpu.memory_space<hbm>>
        tpu.enqueue_dma source(%dma_start3A_28 : memref<16x128xf32, #tpu.memory_space<hbm>>) target(%dma_start3A_25 : memref<16x128xf32, #tpu.memory_space<vmem_shared>>) target_semaphore(%run_scoped3A : memref<!tpu.dma_semaphore, #tpu.memory_space<semaphore_mem>>)
        %dma_wait3A = arith.constant 9984 : i32
        %dma_wait3A_29 = arith.constant 0 : i32
        %dma_wait3A_30 = tpu.memref_slice %arg11[%dma_wait3A, %dma_wait3A_29] : memref<10000x128xf32, #tpu.memory_space<vmem_shared>> -> memref<16x128xf32, #tpu.memory_space<vmem_shared>>
        %dma_wait3A_31 = arith.constant 0 : i32
        %dma_wait3A_32 = arith.constant 0 : i32
        %dma_wait3A_33 = tpu.memref_slice %arg5[%dma_wait3A_31, %dma_wait3A_32] : memref<624x128xf32, #tpu.memory_space<hbm>> -> memref<16x128xf32, #tpu.memory_space<hbm>>
        tpu.wait_dma2 semaphore(%run_scoped3A : memref<!tpu.dma_semaphore, #tpu.memory_space<semaphore_mem>>) src(%dma_wait3A_33 : memref<16x128xf32, #tpu.memory_space<hbm>>) dst(%dma_wait3A_30 : memref<16x128xf32, #tpu.memory_space<vmem_shared>>)
        tpu.yield
      }) : () -> ()
    } else {
    }
    %barrier3A = arith.constant 0 : index
    tpu.barrier barrier_id(%barrier3A)
    %dma_start3A = arith.constant 0 : i32
    %dma_start3A_5 = tpu.memref_slice %arg7[%dma_start3A] : memref<10000xi32, #tpu.memory_space<vmem>> -> memref<80xi32, #tpu.memory_space<vmem>>
    %dma_start3A_6 = arith.constant 0 : i32
    %dma_start3A_7 = arith.constant 0 : i32
    %dma_start3A_8 = tpu.memref_slice %arg2[%dma_start3A_6, %dma_start3A_7] : memref<10000x128xf32, #tpu.memory_space<hbm>> -> memref<10000x128xf32, #tpu.memory_space<hbm>>
    tpu.enqueue_indirect_dma source(%dma_start3A_8 : memref<10000x128xf32, #tpu.memory_space<hbm>>) target(%arg9 : memref<80x128xf32, #tpu.memory_space<vmem>>) offsets(%dma_start3A_5 : memref<80xi32, #tpu.memory_space<vmem>>) semaphore(%arg12 : memref<!tpu.dma_semaphore, #tpu.memory_space<semaphore_mem>>)
    %scan3A = arith.constant 0 : i32
    %scan3A_9 = arith.constant 63 : i32
    %scan3A_10 = arith.addi %scan3A, %scan3A_9 : i32
    %scan3A_11 = arith.constant 1 : i32
    scf.for %scan3A_23 = %scan3A to %scan3A_10 step %scan3A_11  : i32 {
      %mul3A_24 = arith.constant 2 : i32
      %mul3A_25 = arith.muli %scan3A_23, %mul3A_24 : i32
      %add3A_26 = arith.constant 0 : i32
      %add3A_27 = arith.addi %add3A_26, %mul3A_25 : i32
      %add3A_28 = arith.constant 1 : i32
      %add3A_29 = arith.addi %add3A_27, %add3A_28 : i32
      %lt3A = arith.constant 125 : i32
      %lt3A_30 = arith.cmpi slt, %add3A_29, %lt3A : i32
      %convert_element_type3A_31 = arith.extui %lt3A_30 : i1 to i32
      %cond3A_32 = arith.constant 0 : i32
      %cond3A_33 = arith.cmpi ne, %convert_element_type3A_31, %cond3A_32 : i32
      scf.if %cond3A_33 {
        %add3A_53 = arith.constant 1 : i32
        %add3A_54 = arith.addi %add3A_27, %add3A_53 : i32
        %mul3A_55 = arith.constant 80 : i32
        %mul3A_56 = arith.muli %add3A_54, %mul3A_55 : i32
        %dma_start3A_57 = tpu.memref_slice %arg7[%mul3A_56] : memref<10000xi32, #tpu.memory_space<vmem>> -> memref<80xi32, #tpu.memory_space<vmem>>
        %dma_start3A_58 = arith.constant 0 : i32
        %dma_start3A_59 = arith.constant 0 : i32
        %dma_start3A_60 = tpu.memref_slice %arg2[%dma_start3A_58, %dma_start3A_59] : memref<10000x128xf32, #tpu.memory_space<hbm>> -> memref<10000x128xf32, #tpu.memory_space<hbm>>
        tpu.enqueue_indirect_dma source(%dma_start3A_60 : memref<10000x128xf32, #tpu.memory_space<hbm>>) target(%arg10 : memref<80x128xf32, #tpu.memory_space<vmem>>) offsets(%dma_start3A_57 : memref<80xi32, #tpu.memory_space<vmem>>) semaphore(%arg13 : memref<!tpu.dma_semaphore, #tpu.memory_space<semaphore_mem>>)
      } else {
      }
      %mul3A_34 = arith.constant 80 : i32
      %mul3A_35 = arith.muli %add3A_27, %mul3A_34 : i32
      %dma_wait3A = tpu.memref_slice %arg7[%mul3A_35] : memref<10000xi32, #tpu.memory_space<vmem>> -> memref<80xi32, #tpu.memory_space<vmem>>
      %dma_wait3A_36 = arith.constant 0 : i32
      %dma_wait3A_37 = arith.constant 0 : i32
      %dma_wait3A_38 = tpu.memref_slice %arg2[%dma_wait3A_36, %dma_wait3A_37] : memref<10000x128xf32, #tpu.memory_space<hbm>> -> memref<10000x128xf32, #tpu.memory_space<hbm>>
      tpu.wait_indirect_dma semaphore(%arg12 : memref<!tpu.dma_semaphore, #tpu.memory_space<semaphore_mem>>) src(%dma_wait3A_38 : memref<10000x128xf32, #tpu.memory_space<hbm>>) dst(%arg9 : memref<80x128xf32, #tpu.memory_space<vmem>>)
      "tpu.region"() ({
        %run_scoped3A = tpu.sem_alloc : memref<!tpu.dma_semaphore, #tpu.memory_space<semaphore_mem>>
        %dma_start3A_53 = arith.constant 0 : i32
        %dma_start3A_54 = tpu.memref_slice %arg8[%add3A_27, %dma_start3A_53] : memref<125x80xi32, #tpu.memory_space<vmem>> -> memref<1x80xi32, #tpu.memory_space<vmem>>
        %dma_start3A_55 = tpu.memref_squeeze %dma_start3A_54 : memref<1x80xi32, #tpu.memory_space<vmem>> -> memref<80xi32, #tpu.memory_space<vmem>>
        %dma_start3A_56 = arith.constant 0 : i32
        %dma_start3A_57 = arith.constant 0 : i32
        %dma_start3A_58 = tpu.memref_slice %arg11[%dma_start3A_56, %dma_start3A_57] : memref<10000x128xf32, #tpu.memory_space<vmem_shared>> -> memref<10000x128xf32, #tpu.memory_space<vmem_shared>>
        tpu.enqueue_indirect_dma source(%arg9 : memref<80x128xf32, #tpu.memory_space<vmem>>) target(%dma_start3A_58 : memref<10000x128xf32, #tpu.memory_space<vmem_shared>>) offsets(%dma_start3A_55 : memref<80xi32, #tpu.memory_space<vmem>>) semaphore(%run_scoped3A : memref<!tpu.dma_semaphore, #tpu.memory_space<semaphore_mem>>) {add = true}
        %dma_wait3A_59 = arith.constant 0 : i32
        %dma_wait3A_60 = tpu.memref_slice %arg8[%add3A_27, %dma_wait3A_59] : memref<125x80xi32, #tpu.memory_space<vmem>> -> memref<1x80xi32, #tpu.memory_space<vmem>>
        %dma_wait3A_61 = tpu.memref_squeeze %dma_wait3A_60 : memref<1x80xi32, #tpu.memory_space<vmem>> -> memref<80xi32, #tpu.memory_space<vmem>>
        %dma_wait3A_62 = arith.constant 0 : i32
        %dma_wait3A_63 = arith.constant 0 : i32
        %dma_wait3A_64 = tpu.memref_slice %arg11[%dma_wait3A_62, %dma_wait3A_63] : memref<10000x128xf32, #tpu.memory_space<vmem_shared>> -> memref<10000x128xf32, #tpu.memory_space<vmem_shared>>
        tpu.wait_indirect_dma semaphore(%run_scoped3A : memref<!tpu.dma_semaphore, #tpu.memory_space<semaphore_mem>>) src(%arg9 : memref<80x128xf32, #tpu.memory_space<vmem>>) dst(%dma_wait3A_64 : memref<10000x128xf32, #tpu.memory_space<vmem_shared>>)
        tpu.yield
      }) : () -> ()
      %add3A_39 = arith.constant 2 : i32
      %add3A_40 = arith.addi %add3A_27, %add3A_39 : i32
      %lt3A_41 = arith.constant 125 : i32
      %lt3A_42 = arith.cmpi slt, %add3A_40, %lt3A_41 : i32
      %convert_element_type3A_43 = arith.extui %lt3A_42 : i1 to i32
      %cond3A_44 = arith.constant 0 : i32
      %cond3A_45 = arith.cmpi ne, %convert_element_type3A_43, %cond3A_44 : i32
      scf.if %cond3A_45 {
        %add3A_53 = arith.constant 2 : i32
        %add3A_54 = arith.addi %add3A_27, %add3A_53 : i32
        %mul3A_55 = arith.constant 80 : i32
        %mul3A_56 = arith.muli %add3A_54, %mul3A_55 : i32
        %dma_start3A_57 = tpu.memref_slice %arg7[%mul3A_56] : memref<10000xi32, #tpu.memory_space<vmem>> -> memref<80xi32, #tpu.memory_space<vmem>>
        %dma_start3A_58 = arith.constant 0 : i32
        %dma_start3A_59 = arith.constant 0 : i32
        %dma_start3A_60 = tpu.memref_slice %arg2[%dma_start3A_58, %dma_start3A_59] : memref<10000x128xf32, #tpu.memory_space<hbm>> -> memref<10000x128xf32, #tpu.memory_space<hbm>>
        tpu.enqueue_indirect_dma source(%dma_start3A_60 : memref<10000x128xf32, #tpu.memory_space<hbm>>) target(%arg9 : memref<80x128xf32, #tpu.memory_space<vmem>>) offsets(%dma_start3A_57 : memref<80xi32, #tpu.memory_space<vmem>>) semaphore(%arg12 : memref<!tpu.dma_semaphore, #tpu.memory_space<semaphore_mem>>)
      } else {
      }
      %add3A_46 = arith.constant 1 : i32
      %add3A_47 = arith.addi %add3A_27, %add3A_46 : i32
      %lt3A_48 = arith.constant 125 : i32
      %lt3A_49 = arith.cmpi slt, %add3A_47, %lt3A_48 : i32
      %convert_element_type3A_50 = arith.extui %lt3A_49 : i1 to i32
      %cond3A_51 = arith.constant 0 : i32
      %cond3A_52 = arith.cmpi ne, %convert_element_type3A_50, %cond3A_51 : i32
      scf.if %cond3A_52 {
        %add3A_53 = arith.constant 1 : i32
        %add3A_54 = arith.addi %add3A_27, %add3A_53 : i32
        %mul3A_55 = arith.constant 80 : i32
        %mul3A_56 = arith.muli %add3A_54, %mul3A_55 : i32
        %dma_wait3A_57 = tpu.memref_slice %arg7[%mul3A_56] : memref<10000xi32, #tpu.memory_space<vmem>> -> memref<80xi32, #tpu.memory_space<vmem>>
        %dma_wait3A_58 = arith.constant 0 : i32
        %dma_wait3A_59 = arith.constant 0 : i32
        %dma_wait3A_60 = tpu.memref_slice %arg2[%dma_wait3A_58, %dma_wait3A_59] : memref<10000x128xf32, #tpu.memory_space<hbm>> -> memref<10000x128xf32, #tpu.memory_space<hbm>>
        tpu.wait_indirect_dma semaphore(%arg13 : memref<!tpu.dma_semaphore, #tpu.memory_space<semaphore_mem>>) src(%dma_wait3A_60 : memref<10000x128xf32, #tpu.memory_space<hbm>>) dst(%arg10 : memref<80x128xf32, #tpu.memory_space<vmem>>)
        %add3A_61 = arith.constant 1 : i32
        %add3A_62 = arith.addi %add3A_27, %add3A_61 : i32
        "tpu.region"() ({
          %run_scoped3A = tpu.sem_alloc : memref<!tpu.dma_semaphore, #tpu.memory_space<semaphore_mem>>
          %dma_start3A_63 = arith.constant 0 : i32
          %dma_start3A_64 = tpu.memref_slice %arg8[%add3A_62, %dma_start3A_63] : memref<125x80xi32, #tpu.memory_space<vmem>> -> memref<1x80xi32, #tpu.memory_space<vmem>>
          %dma_start3A_65 = tpu.memref_squeeze %dma_start3A_64 : memref<1x80xi32, #tpu.memory_space<vmem>> -> memref<80xi32, #tpu.memory_space<vmem>>
          %dma_start3A_66 = arith.constant 0 : i32
          %dma_start3A_67 = arith.constant 0 : i32
          %dma_start3A_68 = tpu.memref_slice %arg11[%dma_start3A_66, %dma_start3A_67] : memref<10000x128xf32, #tpu.memory_space<vmem_shared>> -> memref<10000x128xf32, #tpu.memory_space<vmem_shared>>
          tpu.enqueue_indirect_dma source(%arg10 : memref<80x128xf32, #tpu.memory_space<vmem>>) target(%dma_start3A_68 : memref<10000x128xf32, #tpu.memory_space<vmem_shared>>) offsets(%dma_start3A_65 : memref<80xi32, #tpu.memory_space<vmem>>) semaphore(%run_scoped3A : memref<!tpu.dma_semaphore, #tpu.memory_space<semaphore_mem>>) {add = true}
          %dma_wait3A_69 = arith.constant 0 : i32
          %dma_wait3A_70 = tpu.memref_slice %arg8[%add3A_62, %dma_wait3A_69] : memref<125x80xi32, #tpu.memory_space<vmem>> -> memref<1x80xi32, #tpu.memory_space<vmem>>
          %dma_wait3A_71 = tpu.memref_squeeze %dma_wait3A_70 : memref<1x80xi32, #tpu.memory_space<vmem>> -> memref<80xi32, #tpu.memory_space<vmem>>
          %dma_wait3A_72 = arith.constant 0 : i32
          %dma_wait3A_73 = arith.constant 0 : i32
          %dma_wait3A_74 = tpu.memref_slice %arg11[%dma_wait3A_72, %dma_wait3A_73] : memref<10000x128xf32, #tpu.memory_space<vmem_shared>> -> memref<10000x128xf32, #tpu.memory_space<vmem_shared>>
          tpu.wait_indirect_dma semaphore(%run_scoped3A : memref<!tpu.dma_semaphore, #tpu.memory_space<semaphore_mem>>) src(%arg10 : memref<80x128xf32, #tpu.memory_space<vmem>>) dst(%dma_wait3A_74 : memref<10000x128xf32, #tpu.memory_space<vmem_shared>>)
          tpu.yield
        }) : () -> ()
      } else {
      }
    }
    %scan3A_12 = arith.constant 63 : i32
    %barrier3A_13 = arith.constant 0 : index
    tpu.barrier barrier_id(%barrier3A_13)
    %mul3A_14 = arith.constant 624 : i32
    %mul3A_15 = arith.muli %arg1, %mul3A_14 : i32
    %mul3A_16 = arith.constant 624 : i32
    %mul3A_17 = arith.muli %arg1, %mul3A_16 : i32
    "tpu.region"() ({
      %run_scoped3A = tpu.sem_alloc : memref<!tpu.dma_semaphore, #tpu.memory_space<semaphore_mem>>
      %dma_start3A_23 = arith.constant 0 : i32
      %dma_start3A_24 = arith.constant 0 : i32
      %dma_start3A_25 = tpu.memref_slice %arg6[%arg0, %dma_start3A_23, %dma_start3A_24] : memref<2x10000x128xf32, #tpu.memory_space<hbm>> -> memref<1x10000x128xf32, #tpu.memory_space<hbm>>
      %dma_start3A_26 = tpu.memref_squeeze %dma_start3A_25 : memref<1x10000x128xf32, #tpu.memory_space<hbm>> -> memref<10000x128xf32, #tpu.memory_space<hbm>>
      %dma_start3A_27 = arith.constant 0 : i32
      %dma_start3A_28 = tpu.memref_slice %dma_start3A_26[%mul3A_17, %dma_start3A_27] : memref<10000x128xf32, #tpu.memory_space<hbm>> -> memref<624x128xf32, #tpu.memory_space<hbm>>
      %dma_start3A_29 = arith.constant 0 : i32
      %dma_start3A_30 = tpu.memref_slice %arg11[%mul3A_15, %dma_start3A_29] : memref<10000x128xf32, #tpu.memory_space<vmem_shared>> -> memref<624x128xf32, #tpu.memory_space<vmem_shared>>
      tpu.enqueue_dma source(%dma_start3A_30 : memref<624x128xf32, #tpu.memory_space<vmem_shared>>) target(%dma_start3A_28 : memref<624x128xf32, #tpu.memory_space<hbm>>) target_semaphore(%run_scoped3A : memref<!tpu.dma_semaphore, #tpu.memory_space<semaphore_mem>>)
      %dma_wait3A = arith.constant 0 : i32
      %dma_wait3A_31 = arith.constant 0 : i32
      %dma_wait3A_32 = tpu.memref_slice %arg6[%arg0, %dma_wait3A, %dma_wait3A_31] : memref<2x10000x128xf32, #tpu.memory_space<hbm>> -> memref<1x10000x128xf32, #tpu.memory_space<hbm>>
      %dma_wait3A_33 = tpu.memref_squeeze %dma_wait3A_32 : memref<1x10000x128xf32, #tpu.memory_space<hbm>> -> memref<10000x128xf32, #tpu.memory_space<hbm>>
      %dma_wait3A_34 = arith.constant 0 : i32
      %dma_wait3A_35 = tpu.memref_slice %dma_wait3A_33[%mul3A_17, %dma_wait3A_34] : memref<10000x128xf32, #tpu.memory_space<hbm>> -> memref<624x128xf32, #tpu.memory_space<hbm>>
      %dma_wait3A_36 = arith.constant 0 : i32
      %dma_wait3A_37 = tpu.memref_slice %arg11[%mul3A_15, %dma_wait3A_36] : memref<10000x128xf32, #tpu.memory_space<vmem_shared>> -> memref<624x128xf32, #tpu.memory_space<vmem_shared>>
      tpu.wait_dma2 semaphore(%run_scoped3A : memref<!tpu.dma_semaphore, #tpu.memory_space<semaphore_mem>>) src(%dma_wait3A_37 : memref<624x128xf32, #tpu.memory_space<vmem_shared>>) dst(%dma_wait3A_35 : memref<624x128xf32, #tpu.memory_space<hbm>>)
      tpu.yield
    }) : () -> ()
    %eq3A_18 = arith.constant 15 : i32
    %eq3A_19 = arith.cmpi eq, %arg1, %eq3A_18 : i32
    %convert_element_type3A_20 = arith.extui %eq3A_19 : i1 to i32
    %cond3A_21 = arith.constant 0 : i32
    %cond3A_22 = arith.cmpi ne, %convert_element_type3A_20, %cond3A_21 : i32
    scf.if %cond3A_22 {
      "tpu.region"() ({
        %run_scoped3A = tpu.sem_alloc : memref<!tpu.dma_semaphore, #tpu.memory_space<semaphore_mem>>
        %dma_start3A_23 = arith.constant 0 : i32
        %dma_start3A_24 = arith.constant 0 : i32
        %dma_start3A_25 = tpu.memref_slice %arg6[%arg0, %dma_start3A_23, %dma_start3A_24] : memref<2x10000x128xf32, #tpu.memory_space<hbm>> -> memref<1x10000x128xf32, #tpu.memory_space<hbm>>
        %dma_start3A_26 = tpu.memref_squeeze %dma_start3A_25 : memref<1x10000x128xf32, #tpu.memory_space<hbm>> -> memref<10000x128xf32, #tpu.memory_space<hbm>>
        %dma_start3A_27 = arith.constant 9984 : i32
        %dma_start3A_28 = arith.constant 0 : i32
        %dma_start3A_29 = tpu.memref_slice %dma_start3A_26[%dma_start3A_27, %dma_start3A_28] : memref<10000x128xf32, #tpu.memory_space<hbm>> -> memref<16x128xf32, #tpu.memory_space<hbm>>
        %dma_start3A_30 = arith.constant 9984 : i32
        %dma_start3A_31 = arith.constant 0 : i32
        %dma_start3A_32 = tpu.memref_slice %arg11[%dma_start3A_30, %dma_start3A_31] : memref<10000x128xf32, #tpu.memory_space<vmem_shared>> -> memref<16x128xf32, #tpu.memory_space<vmem_shared>>
        tpu.enqueue_dma source(%dma_start3A_32 : memref<16x128xf32, #tpu.memory_space<vmem_shared>>) target(%dma_start3A_29 : memref<16x128xf32, #tpu.memory_space<hbm>>) target_semaphore(%run_scoped3A : memref<!tpu.dma_semaphore, #tpu.memory_space<semaphore_mem>>)
        %dma_wait3A = arith.constant 0 : i32
        %dma_wait3A_33 = arith.constant 0 : i32
        %dma_wait3A_34 = tpu.memref_slice %arg6[%arg0, %dma_wait3A, %dma_wait3A_33] : memref<2x10000x128xf32, #tpu.memory_space<hbm>> -> memref<1x10000x128xf32, #tpu.memory_space<hbm>>
        %dma_wait3A_35 = tpu.memref_squeeze %dma_wait3A_34 : memref<1x10000x128xf32, #tpu.memory_space<hbm>> -> memref<10000x128xf32, #tpu.memory_space<hbm>>
        %dma_wait3A_36 = arith.constant 9984 : i32
        %dma_wait3A_37 = arith.constant 0 : i32
        %dma_wait3A_38 = tpu.memref_slice %dma_wait3A_35[%dma_wait3A_36, %dma_wait3A_37] : memref<10000x128xf32, #tpu.memory_space<hbm>> -> memref<16x128xf32, #tpu.memory_space<hbm>>
        %dma_wait3A_39 = arith.constant 9984 : i32
        %dma_wait3A_40 = arith.constant 0 : i32
        %dma_wait3A_41 = tpu.memref_slice %arg11[%dma_wait3A_39, %dma_wait3A_40] : memref<10000x128xf32, #tpu.memory_space<vmem_shared>> -> memref<16x128xf32, #tpu.memory_space<vmem_shared>>
        tpu.wait_dma2 semaphore(%run_scoped3A : memref<!tpu.dma_semaphore, #tpu.memory_space<semaphore_mem>>) src(%dma_wait3A_41 : memref<16x128xf32, #tpu.memory_space<vmem_shared>>) dst(%dma_wait3A_38 : memref<16x128xf32, #tpu.memory_space<hbm>>)
        tpu.yield
      }) : () -> ()
    } else {
    }
    return
  }
}

#map = affine_map<(d0, d1) -> (0, 0)>
#map1 = affine_map<(d0, d1) -> (0, 0, 0)>
module attributes {stable_mosaic.version = 14 : i64} {
  func.func @k(%arg0: i32, %arg1: i32, %arg2: memref<10000x128xf32, #tpu.memory_space<hbm>>, %arg3: memref<32x10000xi32, #tpu.memory_space<hbm>>, %arg4: memref<32x125x80xi32, #tpu.memory_space<hbm>>, %arg5: memref<624x128xf32, #tpu.memory_space<hbm>>, %arg6: memref<2x10000x128xf32, #tpu.memory_space<hbm>>, %arg7: memref<10000xi32, #tpu.memory_space<vmem>>, %arg8: memref<125x80xi32, #tpu.memory_space<vmem>>, %arg9: memref<80x128xf32, #tpu.memory_space<vmem>>, %arg10: memref<80x128xf32, #tpu.memory_space<vmem>>, %arg11: memref<10000x128xf32, #tpu.memory_space<vmem_shared>>, %arg12: memref<!tpu.dma_semaphore, #tpu.memory_space<semaphore_mem>>, %arg13: memref<!tpu.dma_semaphore, #tpu.memory_space<semaphore_mem>>) attributes {dimension_semantics = [#tpu.dimension_semantics<core_parallel>, #tpu.dimension_semantics<subcore_parallel>], iteration_bounds = array<i64: 2, 16>, scalar_prefetch = 0 : i64, scratch_operands = 7 : i64, tpu.core_type = #tpu.core_type<sc_vector_subcore>, window_params = [{transform_indices = #map}, {transform_indices = #map}, {transform_indices = #map1}, {transform_indices = #map}, {transform_indices = #map1}]} {
    %mul3A = arith.constant 2 : i32
    %mul3A_0 = arith.muli %arg1, %mul3A : i32
    %add3A = arith.addi %mul3A_0, %arg0 : i32
    "tpu.region"() ({
      %run_scoped3A = tpu.sem_alloc : memref<!tpu.dma_semaphore, #tpu.memory_space<semaphore_mem>>
      %dma_start3A_23 = arith.constant 0 : i32
      %dma_start3A_24 = tpu.memref_slice %arg3[%add3A, %dma_start3A_23] : memref<32x10000xi32, #tpu.memory_space<hbm>> -> memref<1x10000xi32, #tpu.memory_space<hbm>>
      %dma_start3A_25 = tpu.memref_squeeze %dma_start3A_24 : memref<1x10000xi32, #tpu.memory_space<hbm>> -> memref<10000xi32, #tpu.memory_space<hbm>>
      %dma_start3A_26 = arith.constant 0 : i32
      %dma_start3A_27 = tpu.memref_slice %arg3[%add3A, %dma_start3A_26] : memref<32x10000xi32, #tpu.memory_space<hbm>> -> memref<1x10000xi32, #tpu.memory_space<hbm>>
      %dma_start3A_28 = tpu.memref_squeeze %dma_start3A_27 : memref<1x10000xi32, #tpu.memory_space<hbm>> -> memref<10000xi32, #tpu.memory_space<hbm>>
      tpu.enqueue_dma source(%dma_start3A_28 : memref<10000xi32, #tpu.memory_space<hbm>>) target(%arg7 : memref<10000xi32, #tpu.memory_space<vmem>>) target_semaphore(%run_scoped3A : memref<!tpu.dma_semaphore, #tpu.memory_space<semaphore_mem>>)
      %dma_wait3A = arith.constant 0 : i32
      %dma_wait3A_29 = tpu.memref_slice %arg3[%add3A, %dma_wait3A] : memref<32x10000xi32, #tpu.memory_space<hbm>> -> memref<1x10000xi32, #tpu.memory_space<hbm>>
      %dma_wait3A_30 = tpu.memref_squeeze %dma_wait3A_29 : memref<1x10000xi32, #tpu.memory_space<hbm>> -> memref<10000xi32, #tpu.memory_space<hbm>>
      %dma_wait3A_31 = arith.constant 0 : i32
      %dma_wait3A_32 = tpu.memref_slice %arg3[%add3A, %dma_wait3A_31] : memref<32x10000xi32, #tpu.memory_space<hbm>> -> memref<1x10000xi32, #tpu.memory_space<hbm>>
      %dma_wait3A_33 = tpu.memref_squeeze %dma_wait3A_32 : memref<1x10000xi32, #tpu.memory_space<hbm>> -> memref<10000xi32, #tpu.memory_space<hbm>>
      tpu.wait_dma2 semaphore(%run_scoped3A : memref<!tpu.dma_semaphore, #tpu.memory_space<semaphore_mem>>) src(%dma_wait3A_33 : memref<10000xi32, #tpu.memory_space<hbm>>) dst(%arg7 : memref<10000xi32, #tpu.memory_space<vmem>>)
      tpu.yield
    }) : () -> ()
    "tpu.region"() ({
      %run_scoped3A = tpu.sem_alloc : memref<!tpu.dma_semaphore, #tpu.memory_space<semaphore_mem>>
      %dma_start3A_23 = arith.constant 0 : i32
      %dma_start3A_24 = arith.constant 0 : i32
      %dma_start3A_25 = tpu.memref_slice %arg4[%add3A, %dma_start3A_23, %dma_start3A_24] : memref<32x125x80xi32, #tpu.memory_space<hbm>> -> memref<1x125x80xi32, #tpu.memory_space<hbm>>
      %dma_start3A_26 = tpu.memref_squeeze %dma_start3A_25 : memref<1x125x80xi32, #tpu.memory_space<hbm>> -> memref<125x80xi32, #tpu.memory_space<hbm>>
      %dma_start3A_27 = arith.constant 0 : i32
      %dma_start3A_28 = arith.constant 0 : i32
      %dma_start3A_29 = tpu.memref_slice %arg4[%add3A, %dma_start3A_27, %dma_start3A_28] : memref<32x125x80xi32, #tpu.memory_space<hbm>> -> memref<1x125x80xi32, #tpu.memory_space<hbm>>
      %dma_start3A_30 = tpu.memref_squeeze %dma_start3A_29 : memref<1x125x80xi32, #tpu.memory_space<hbm>> -> memref<125x80xi32, #tpu.memory_space<hbm>>
      tpu.enqueue_dma source(%dma_start3A_30 : memref<125x80xi32, #tpu.memory_space<hbm>>) target(%arg8 : memref<125x80xi32, #tpu.memory_space<vmem>>) target_semaphore(%run_scoped3A : memref<!tpu.dma_semaphore, #tpu.memory_space<semaphore_mem>>)
      %dma_wait3A = arith.constant 0 : i32
      %dma_wait3A_31 = arith.constant 0 : i32
      %dma_wait3A_32 = tpu.memref_slice %arg4[%add3A, %dma_wait3A, %dma_wait3A_31] : memref<32x125x80xi32, #tpu.memory_space<hbm>> -> memref<1x125x80xi32, #tpu.memory_space<hbm>>
      %dma_wait3A_33 = tpu.memref_squeeze %dma_wait3A_32 : memref<1x125x80xi32, #tpu.memory_space<hbm>> -> memref<125x80xi32, #tpu.memory_space<hbm>>
      %dma_wait3A_34 = arith.constant 0 : i32
      %dma_wait3A_35 = arith.constant 0 : i32
      %dma_wait3A_36 = tpu.memref_slice %arg4[%add3A, %dma_wait3A_34, %dma_wait3A_35] : memref<32x125x80xi32, #tpu.memory_space<hbm>> -> memref<1x125x80xi32, #tpu.memory_space<hbm>>
      %dma_wait3A_37 = tpu.memref_squeeze %dma_wait3A_36 : memref<1x125x80xi32, #tpu.memory_space<hbm>> -> memref<125x80xi32, #tpu.memory_space<hbm>>
      tpu.wait_dma2 semaphore(%run_scoped3A : memref<!tpu.dma_semaphore, #tpu.memory_space<semaphore_mem>>) src(%dma_wait3A_37 : memref<125x80xi32, #tpu.memory_space<hbm>>) dst(%arg8 : memref<125x80xi32, #tpu.memory_space<vmem>>)
      tpu.yield
    }) : () -> ()
    %mul3A_1 = arith.constant 624 : i32
    %mul3A_2 = arith.muli %arg1, %mul3A_1 : i32
    "tpu.region"() ({
      %run_scoped3A = tpu.sem_alloc : memref<!tpu.dma_semaphore, #tpu.memory_space<semaphore_mem>>
      %dma_start3A_23 = arith.constant 0 : i32
      %dma_start3A_24 = tpu.memref_slice %arg11[%mul3A_2, %dma_start3A_23] : memref<10000x128xf32, #tpu.memory_space<vmem_shared>> -> memref<624x128xf32, #tpu.memory_space<vmem_shared>>
      tpu.enqueue_dma source(%arg5 : memref<624x128xf32, #tpu.memory_space<hbm>>) target(%dma_start3A_24 : memref<624x128xf32, #tpu.memory_space<vmem_shared>>) target_semaphore(%run_scoped3A : memref<!tpu.dma_semaphore, #tpu.memory_space<semaphore_mem>>)
      %dma_wait3A = arith.constant 0 : i32
      %dma_wait3A_25 = tpu.memref_slice %arg11[%mul3A_2, %dma_wait3A] : memref<10000x128xf32, #tpu.memory_space<vmem_shared>> -> memref<624x128xf32, #tpu.memory_space<vmem_shared>>
      tpu.wait_dma2 semaphore(%run_scoped3A : memref<!tpu.dma_semaphore, #tpu.memory_space<semaphore_mem>>) src(%arg5 : memref<624x128xf32, #tpu.memory_space<hbm>>) dst(%dma_wait3A_25 : memref<624x128xf32, #tpu.memory_space<vmem_shared>>)
      tpu.yield
    }) : () -> ()
    %eq3A = arith.constant 15 : i32
    %eq3A_3 = arith.cmpi eq, %arg1, %eq3A : i32
    %convert_element_type3A = arith.extui %eq3A_3 : i1 to i32
    %cond3A = arith.constant 0 : i32
    %cond3A_4 = arith.cmpi ne, %convert_element_type3A, %cond3A : i32
    scf.if %cond3A_4 {
      "tpu.region"() ({
        %run_scoped3A = tpu.sem_alloc : memref<!tpu.dma_semaphore, #tpu.memory_space<semaphore_mem>>
        %dma_start3A_23 = arith.constant 9984 : i32
        %dma_start3A_24 = arith.constant 0 : i32
        %dma_start3A_25 = tpu.memref_slice %arg11[%dma_start3A_23, %dma_start3A_24] : memref<10000x128xf32, #tpu.memory_space<vmem_shared>> -> memref<16x128xf32, #tpu.memory_space<vmem_shared>>
        %dma_start3A_26 = arith.constant 0 : i32
        %dma_start3A_27 = arith.constant 0 : i32
        %dma_start3A_28 = tpu.memref_slice %arg5[%dma_start3A_26, %dma_start3A_27] : memref<624x128xf32, #tpu.memory_space<hbm>> -> memref<16x128xf32, #tpu.memory_space<hbm>>
        tpu.enqueue_dma source(%dma_start3A_28 : memref<16x128xf32, #tpu.memory_space<hbm>>) target(%dma_start3A_25 : memref<16x128xf32, #tpu.memory_space<vmem_shared>>) target_semaphore(%run_scoped3A : memref<!tpu.dma_semaphore, #tpu.memory_space<semaphore_mem>>)
        %dma_wait3A = arith.constant 9984 : i32
        %dma_wait3A_29 = arith.constant 0 : i32
        %dma_wait3A_30 = tpu.memref_slice %arg11[%dma_wait3A, %dma_wait3A_29] : memref<10000x128xf32, #tpu.memory_space<vmem_shared>> -> memref<16x128xf32, #tpu.memory_space<vmem_shared>>
        %dma_wait3A_31 = arith.constant 0 : i32
        %dma_wait3A_32 = arith.constant 0 : i32
        %dma_wait3A_33 = tpu.memref_slice %arg5[%dma_wait3A_31, %dma_wait3A_32] : memref<624x128xf32, #tpu.memory_space<hbm>> -> memref<16x128xf32, #tpu.memory_space<hbm>>
        tpu.wait_dma2 semaphore(%run_scoped3A : memref<!tpu.dma_semaphore, #tpu.memory_space<semaphore_mem>>) src(%dma_wait3A_33 : memref<16x128xf32, #tpu.memory_space<hbm>>) dst(%dma_wait3A_30 : memref<16x128xf32, #tpu.memory_space<vmem_shared>>)
        tpu.yield
      }) : () -> ()
    } else {
    }
    %barrier3A = arith.constant 0 : index
    tpu.barrier barrier_id(%barrier3A)
    %dma_start3A = arith.constant 0 : i32
    %dma_start3A_5 = tpu.memref_slice %arg7[%dma_start3A] : memref<10000xi32, #tpu.memory_space<vmem>> -> memref<80xi32, #tpu.memory_space<vmem>>
    %dma_start3A_6 = arith.constant 0 : i32
    %dma_start3A_7 = arith.constant 0 : i32
    %dma_start3A_8 = tpu.memref_slice %arg2[%dma_start3A_6, %dma_start3A_7] : memref<10000x128xf32, #tpu.memory_space<hbm>> -> memref<10000x128xf32, #tpu.memory_space<hbm>>
    tpu.enqueue_indirect_dma source(%dma_start3A_8 : memref<10000x128xf32, #tpu.memory_space<hbm>>) target(%arg9 : memref<80x128xf32, #tpu.memory_space<vmem>>) offsets(%dma_start3A_5 : memref<80xi32, #tpu.memory_space<vmem>>) semaphore(%arg12 : memref<!tpu.dma_semaphore, #tpu.memory_space<semaphore_mem>>)
    %scan3A = arith.constant 0 : i32
    %scan3A_9 = arith.constant 63 : i32
    %scan3A_10 = arith.addi %scan3A, %scan3A_9 : i32
    %scan3A_11 = arith.constant 1 : i32
    scf.for %scan3A_23 = %scan3A to %scan3A_10 step %scan3A_11  : i32 {
      %mul3A_24 = arith.constant 2 : i32
      %mul3A_25 = arith.muli %scan3A_23, %mul3A_24 : i32
      %add3A_26 = arith.constant 0 : i32
      %add3A_27 = arith.addi %add3A_26, %mul3A_25 : i32
      %add3A_28 = arith.constant 1 : i32
      %add3A_29 = arith.addi %add3A_27, %add3A_28 : i32
      %lt3A = arith.constant 125 : i32
      %lt3A_30 = arith.cmpi slt, %add3A_29, %lt3A : i32
      %convert_element_type3A_31 = arith.extui %lt3A_30 : i1 to i32
      %cond3A_32 = arith.constant 0 : i32
      %cond3A_33 = arith.cmpi ne, %convert_element_type3A_31, %cond3A_32 : i32
      scf.if %cond3A_33 {
        %add3A_53 = arith.constant 1 : i32
        %add3A_54 = arith.addi %add3A_27, %add3A_53 : i32
        %mul3A_55 = arith.constant 80 : i32
        %mul3A_56 = arith.muli %add3A_54, %mul3A_55 : i32
        %dma_start3A_57 = tpu.memref_slice %arg7[%mul3A_56] : memref<10000xi32, #tpu.memory_space<vmem>> -> memref<80xi32, #tpu.memory_space<vmem>>
        %dma_start3A_58 = arith.constant 0 : i32
        %dma_start3A_59 = arith.constant 0 : i32
        %dma_start3A_60 = tpu.memref_slice %arg2[%dma_start3A_58, %dma_start3A_59] : memref<10000x128xf32, #tpu.memory_space<hbm>> -> memref<10000x128xf32, #tpu.memory_space<hbm>>
        tpu.enqueue_indirect_dma source(%dma_start3A_60 : memref<10000x128xf32, #tpu.memory_space<hbm>>) target(%arg10 : memref<80x128xf32, #tpu.memory_space<vmem>>) offsets(%dma_start3A_57 : memref<80xi32, #tpu.memory_space<vmem>>) semaphore(%arg13 : memref<!tpu.dma_semaphore, #tpu.memory_space<semaphore_mem>>)
      } else {
      }
      %mul3A_34 = arith.constant 80 : i32
      %mul3A_35 = arith.muli %add3A_27, %mul3A_34 : i32
      %dma_wait3A = tpu.memref_slice %arg7[%mul3A_35] : memref<10000xi32, #tpu.memory_space<vmem>> -> memref<80xi32, #tpu.memory_space<vmem>>
      %dma_wait3A_36 = arith.constant 0 : i32
      %dma_wait3A_37 = arith.constant 0 : i32
      %dma_wait3A_38 = tpu.memref_slice %arg2[%dma_wait3A_36, %dma_wait3A_37] : memref<10000x128xf32, #tpu.memory_space<hbm>> -> memref<10000x128xf32, #tpu.memory_space<hbm>>
      tpu.wait_indirect_dma semaphore(%arg12 : memref<!tpu.dma_semaphore, #tpu.memory_space<semaphore_mem>>) src(%dma_wait3A_38 : memref<10000x128xf32, #tpu.memory_space<hbm>>) dst(%arg9 : memref<80x128xf32, #tpu.memory_space<vmem>>)
      "tpu.region"() ({
        %run_scoped3A = tpu.sem_alloc : memref<!tpu.dma_semaphore, #tpu.memory_space<semaphore_mem>>
        %dma_start3A_53 = arith.constant 0 : i32
        %dma_start3A_54 = tpu.memref_slice %arg8[%add3A_27, %dma_start3A_53] : memref<125x80xi32, #tpu.memory_space<vmem>> -> memref<1x80xi32, #tpu.memory_space<vmem>>
        %dma_start3A_55 = tpu.memref_squeeze %dma_start3A_54 : memref<1x80xi32, #tpu.memory_space<vmem>> -> memref<80xi32, #tpu.memory_space<vmem>>
        %dma_start3A_56 = arith.constant 0 : i32
        %dma_start3A_57 = arith.constant 0 : i32
        %dma_start3A_58 = tpu.memref_slice %arg11[%dma_start3A_56, %dma_start3A_57] : memref<10000x128xf32, #tpu.memory_space<vmem_shared>> -> memref<10000x128xf32, #tpu.memory_space<vmem_shared>>
        tpu.enqueue_indirect_dma source(%arg9 : memref<80x128xf32, #tpu.memory_space<vmem>>) target(%dma_start3A_58 : memref<10000x128xf32, #tpu.memory_space<vmem_shared>>) offsets(%dma_start3A_55 : memref<80xi32, #tpu.memory_space<vmem>>) semaphore(%run_scoped3A : memref<!tpu.dma_semaphore, #tpu.memory_space<semaphore_mem>>) {add = true}
        %dma_wait3A_59 = arith.constant 0 : i32
        %dma_wait3A_60 = tpu.memref_slice %arg8[%add3A_27, %dma_wait3A_59] : memref<125x80xi32, #tpu.memory_space<vmem>> -> memref<1x80xi32, #tpu.memory_space<vmem>>
        %dma_wait3A_61 = tpu.memref_squeeze %dma_wait3A_60 : memref<1x80xi32, #tpu.memory_space<vmem>> -> memref<80xi32, #tpu.memory_space<vmem>>
        %dma_wait3A_62 = arith.constant 0 : i32
        %dma_wait3A_63 = arith.constant 0 : i32
        %dma_wait3A_64 = tpu.memref_slice %arg11[%dma_wait3A_62, %dma_wait3A_63] : memref<10000x128xf32, #tpu.memory_space<vmem_shared>> -> memref<10000x128xf32, #tpu.memory_space<vmem_shared>>
        tpu.wait_indirect_dma semaphore(%run_scoped3A : memref<!tpu.dma_semaphore, #tpu.memory_space<semaphore_mem>>) src(%arg9 : memref<80x128xf32, #tpu.memory_space<vmem>>) dst(%dma_wait3A_64 : memref<10000x128xf32, #tpu.memory_space<vmem_shared>>)
        tpu.yield
      }) : () -> ()
      %add3A_39 = arith.constant 2 : i32
      %add3A_40 = arith.addi %add3A_27, %add3A_39 : i32
      %lt3A_41 = arith.constant 125 : i32
      %lt3A_42 = arith.cmpi slt, %add3A_40, %lt3A_41 : i32
      %convert_element_type3A_43 = arith.extui %lt3A_42 : i1 to i32
      %cond3A_44 = arith.constant 0 : i32
      %cond3A_45 = arith.cmpi ne, %convert_element_type3A_43, %cond3A_44 : i32
      scf.if %cond3A_45 {
        %add3A_53 = arith.constant 2 : i32
        %add3A_54 = arith.addi %add3A_27, %add3A_53 : i32
        %mul3A_55 = arith.constant 80 : i32
        %mul3A_56 = arith.muli %add3A_54, %mul3A_55 : i32
        %dma_start3A_57 = tpu.memref_slice %arg7[%mul3A_56] : memref<10000xi32, #tpu.memory_space<vmem>> -> memref<80xi32, #tpu.memory_space<vmem>>
        %dma_start3A_58 = arith.constant 0 : i32
        %dma_start3A_59 = arith.constant 0 : i32
        %dma_start3A_60 = tpu.memref_slice %arg2[%dma_start3A_58, %dma_start3A_59] : memref<10000x128xf32, #tpu.memory_space<hbm>> -> memref<10000x128xf32, #tpu.memory_space<hbm>>
        tpu.enqueue_indirect_dma source(%dma_start3A_60 : memref<10000x128xf32, #tpu.memory_space<hbm>>) target(%arg9 : memref<80x128xf32, #tpu.memory_space<vmem>>) offsets(%dma_start3A_57 : memref<80xi32, #tpu.memory_space<vmem>>) semaphore(%arg12 : memref<!tpu.dma_semaphore, #tpu.memory_space<semaphore_mem>>)
      } else {
      }
      %add3A_46 = arith.constant 1 : i32
      %add3A_47 = arith.addi %add3A_27, %add3A_46 : i32
      %lt3A_48 = arith.constant 125 : i32
      %lt3A_49 = arith.cmpi slt, %add3A_47, %lt3A_48 : i32
      %convert_element_type3A_50 = arith.extui %lt3A_49 : i1 to i32
      %cond3A_51 = arith.constant 0 : i32
      %cond3A_52 = arith.cmpi ne, %convert_element_type3A_50, %cond3A_51 : i32
      scf.if %cond3A_52 {
        %add3A_53 = arith.constant 1 : i32
        %add3A_54 = arith.addi %add3A_27, %add3A_53 : i32
        %mul3A_55 = arith.constant 80 : i32
        %mul3A_56 = arith.muli %add3A_54, %mul3A_55 : i32
        %dma_wait3A_57 = tpu.memref_slice %arg7[%mul3A_56] : memref<10000xi32, #tpu.memory_space<vmem>> -> memref<80xi32, #tpu.memory_space<vmem>>
        %dma_wait3A_58 = arith.constant 0 : i32
        %dma_wait3A_59 = arith.constant 0 : i32
        %dma_wait3A_60 = tpu.memref_slice %arg2[%dma_wait3A_58, %dma_wait3A_59] : memref<10000x128xf32, #tpu.memory_space<hbm>> -> memref<10000x128xf32, #tpu.memory_space<hbm>>
        tpu.wait_indirect_dma semaphore(%arg13 : memref<!tpu.dma_semaphore, #tpu.memory_space<semaphore_mem>>) src(%dma_wait3A_60 : memref<10000x128xf32, #tpu.memory_space<hbm>>) dst(%arg10 : memref<80x128xf32, #tpu.memory_space<vmem>>)
        %add3A_61 = arith.constant 1 : i32
        %add3A_62 = arith.addi %add3A_27, %add3A_61 : i32
        "tpu.region"() ({
          %run_scoped3A = tpu.sem_alloc : memref<!tpu.dma_semaphore, #tpu.memory_space<semaphore_mem>>
          %dma_start3A_63 = arith.constant 0 : i32
          %dma_start3A_64 = tpu.memref_slice %arg8[%add3A_62, %dma_start3A_63] : memref<125x80xi32, #tpu.memory_space<vmem>> -> memref<1x80xi32, #tpu.memory_space<vmem>>
          %dma_start3A_65 = tpu.memref_squeeze %dma_start3A_64 : memref<1x80xi32, #tpu.memory_space<vmem>> -> memref<80xi32, #tpu.memory_space<vmem>>
          %dma_start3A_66 = arith.constant 0 : i32
          %dma_start3A_67 = arith.constant 0 : i32
          %dma_start3A_68 = tpu.memref_slice %arg11[%dma_start3A_66, %dma_start3A_67] : memref<10000x128xf32, #tpu.memory_space<vmem_shared>> -> memref<10000x128xf32, #tpu.memory_space<vmem_shared>>
          tpu.enqueue_indirect_dma source(%arg10 : memref<80x128xf32, #tpu.memory_space<vmem>>) target(%dma_start3A_68 : memref<10000x128xf32, #tpu.memory_space<vmem_shared>>) offsets(%dma_start3A_65 : memref<80xi32, #tpu.memory_space<vmem>>) semaphore(%run_scoped3A : memref<!tpu.dma_semaphore, #tpu.memory_space<semaphore_mem>>) {add = true}
          %dma_wait3A_69 = arith.constant 0 : i32
          %dma_wait3A_70 = tpu.memref_slice %arg8[%add3A_62, %dma_wait3A_69] : memref<125x80xi32, #tpu.memory_space<vmem>> -> memref<1x80xi32, #tpu.memory_space<vmem>>
          %dma_wait3A_71 = tpu.memref_squeeze %dma_wait3A_70 : memref<1x80xi32, #tpu.memory_space<vmem>> -> memref<80xi32, #tpu.memory_space<vmem>>
          %dma_wait3A_72 = arith.constant 0 : i32
          %dma_wait3A_73 = arith.constant 0 : i32
          %dma_wait3A_74 = tpu.memref_slice %arg11[%dma_wait3A_72, %dma_wait3A_73] : memref<10000x128xf32, #tpu.memory_space<vmem_shared>> -> memref<10000x128xf32, #tpu.memory_space<vmem_shared>>
          tpu.wait_indirect_dma semaphore(%run_scoped3A : memref<!tpu.dma_semaphore, #tpu.memory_space<semaphore_mem>>) src(%arg10 : memref<80x128xf32, #tpu.memory_space<vmem>>) dst(%dma_wait3A_74 : memref<10000x128xf32, #tpu.memory_space<vmem_shared>>)
          tpu.yield
        }) : () -> ()
      } else {
      }
    }
    %scan3A_12 = arith.constant 63 : i32
    %barrier3A_13 = arith.constant 0 : index
    tpu.barrier barrier_id(%barrier3A_13)
    %mul3A_14 = arith.constant 624 : i32
    %mul3A_15 = arith.muli %arg1, %mul3A_14 : i32
    %mul3A_16 = arith.constant 624 : i32
    %mul3A_17 = arith.muli %arg1, %mul3A_16 : i32
    "tpu.region"() ({
      %run_scoped3A = tpu.sem_alloc : memref<!tpu.dma_semaphore, #tpu.memory_space<semaphore_mem>>
      %dma_start3A_23 = arith.constant 0 : i32
      %dma_start3A_24 = arith.constant 0 : i32
      %dma_start3A_25 = tpu.memref_slice %arg6[%arg0, %dma_start3A_23, %dma_start3A_24] : memref<2x10000x128xf32, #tpu.memory_space<hbm>> -> memref<1x10000x128xf32, #tpu.memory_space<hbm>>
      %dma_start3A_26 = tpu.memref_squeeze %dma_start3A_25 : memref<1x10000x128xf32, #tpu.memory_space<hbm>> -> memref<10000x128xf32, #tpu.memory_space<hbm>>
      %dma_start3A_27 = arith.constant 0 : i32
      %dma_start3A_28 = tpu.memref_slice %dma_start3A_26[%mul3A_17, %dma_start3A_27] : memref<10000x128xf32, #tpu.memory_space<hbm>> -> memref<624x128xf32, #tpu.memory_space<hbm>>
      %dma_start3A_29 = arith.constant 0 : i32
      %dma_start3A_30 = tpu.memref_slice %arg11[%mul3A_15, %dma_start3A_29] : memref<10000x128xf32, #tpu.memory_space<vmem_shared>> -> memref<624x128xf32, #tpu.memory_space<vmem_shared>>
      tpu.enqueue_dma source(%dma_start3A_30 : memref<624x128xf32, #tpu.memory_space<vmem_shared>>) target(%dma_start3A_28 : memref<624x128xf32, #tpu.memory_space<hbm>>) target_semaphore(%run_scoped3A : memref<!tpu.dma_semaphore, #tpu.memory_space<semaphore_mem>>)
      %dma_wait3A = arith.constant 0 : i32
      %dma_wait3A_31 = arith.constant 0 : i32
      %dma_wait3A_32 = tpu.memref_slice %arg6[%arg0, %dma_wait3A, %dma_wait3A_31] : memref<2x10000x128xf32, #tpu.memory_space<hbm>> -> memref<1x10000x128xf32, #tpu.memory_space<hbm>>
      %dma_wait3A_33 = tpu.memref_squeeze %dma_wait3A_32 : memref<1x10000x128xf32, #tpu.memory_space<hbm>> -> memref<10000x128xf32, #tpu.memory_space<hbm>>
      %dma_wait3A_34 = arith.constant 0 : i32
      %dma_wait3A_35 = tpu.memref_slice %dma_wait3A_33[%mul3A_17, %dma_wait3A_34] : memref<10000x128xf32, #tpu.memory_space<hbm>> -> memref<624x128xf32, #tpu.memory_space<hbm>>
      %dma_wait3A_36 = arith.constant 0 : i32
      %dma_wait3A_37 = tpu.memref_slice %arg11[%mul3A_15, %dma_wait3A_36] : memref<10000x128xf32, #tpu.memory_space<vmem_shared>> -> memref<624x128xf32, #tpu.memory_space<vmem_shared>>
      tpu.wait_dma2 semaphore(%run_scoped3A : memref<!tpu.dma_semaphore, #tpu.memory_space<semaphore_mem>>) src(%dma_wait3A_37 : memref<624x128xf32, #tpu.memory_space<vmem_shared>>) dst(%dma_wait3A_35 : memref<624x128xf32, #tpu.memory_space<hbm>>)
      tpu.yield
    }) : () -> ()
    %eq3A_18 = arith.constant 15 : i32
    %eq3A_19 = arith.cmpi eq, %arg1, %eq3A_18 : i32
    %convert_element_type3A_20 = arith.extui %eq3A_19 : i1 to i32
    %cond3A_21 = arith.constant 0 : i32
    %cond3A_22 = arith.cmpi ne, %convert_element_type3A_20, %cond3A_21 : i32
    scf.if %cond3A_22 {
      "tpu.region"() ({
        %run_scoped3A = tpu.sem_alloc : memref<!tpu.dma_semaphore, #tpu.memory_space<semaphore_mem>>
        %dma_start3A_23 = arith.constant 0 : i32
        %dma_start3A_24 = arith.constant 0 : i32
        %dma_start3A_25 = tpu.memref_slice %arg6[%arg0, %dma_start3A_23, %dma_start3A_24] : memref<2x10000x128xf32, #tpu.memory_space<hbm>> -> memref<1x10000x128xf32, #tpu.memory_space<hbm>>
        %dma_start3A_26 = tpu.memref_squeeze %dma_start3A_25 : memref<1x10000x128xf32, #tpu.memory_space<hbm>> -> memref<10000x128xf32, #tpu.memory_space<hbm>>
        %dma_start3A_27 = arith.constant 9984 : i32
        %dma_start3A_28 = arith.constant 0 : i32
        %dma_start3A_29 = tpu.memref_slice %dma_start3A_26[%dma_start3A_27, %dma_start3A_28] : memref<10000x128xf32, #tpu.memory_space<hbm>> -> memref<16x128xf32, #tpu.memory_space<hbm>>
        %dma_start3A_30 = arith.constant 9984 : i32
        %dma_start3A_31 = arith.constant 0 : i32
        %dma_start3A_32 = tpu.memref_slice %arg11[%dma_start3A_30, %dma_start3A_31] : memref<10000x128xf32, #tpu.memory_space<vmem_shared>> -> memref<16x128xf32, #tpu.memory_space<vmem_shared>>
        tpu.enqueue_dma source(%dma_start3A_32 : memref<16x128xf32, #tpu.memory_space<vmem_shared>>) target(%dma_start3A_29 : memref<16x128xf32, #tpu.memory_space<hbm>>) target_semaphore(%run_scoped3A : memref<!tpu.dma_semaphore, #tpu.memory_space<semaphore_mem>>)
        %dma_wait3A = arith.constant 0 : i32
        %dma_wait3A_33 = arith.constant 0 : i32
        %dma_wait3A_34 = tpu.memref_slice %arg6[%arg0, %dma_wait3A, %dma_wait3A_33] : memref<2x10000x128xf32, #tpu.memory_space<hbm>> -> memref<1x10000x128xf32, #tpu.memory_space<hbm>>
        %dma_wait3A_35 = tpu.memref_squeeze %dma_wait3A_34 : memref<1x10000x128xf32, #tpu.memory_space<hbm>> -> memref<10000x128xf32, #tpu.memory_space<hbm>>
        %dma_wait3A_36 = arith.constant 9984 : i32
        %dma_wait3A_37 = arith.constant 0 : i32
        %dma_wait3A_38 = tpu.memref_slice %dma_wait3A_35[%dma_wait3A_36, %dma_wait3A_37] : memref<10000x128xf32, #tpu.memory_space<hbm>> -> memref<16x128xf32, #tpu.memory_space<hbm>>
        %dma_wait3A_39 = arith.constant 9984 : i32
        %dma_wait3A_40 = arith.constant 0 : i32
        %dma_wait3A_41 = tpu.memref_slice %arg11[%dma_wait3A_39, %dma_wait3A_40] : memref<10000x128xf32, #tpu.memory_space<vmem_shared>> -> memref<16x128xf32, #tpu.memory_space<vmem_shared>>
        tpu.wait_dma2 semaphore(%run_scoped3A : memref<!tpu.dma_semaphore, #tpu.memory_space<semaphore_mem>>) src(%dma_wait3A_41 : memref<16x128xf32, #tpu.memory_space<vmem_shared>>) dst(%dma_wait3A_38 : memref<16x128xf32, #tpu.memory_space<hbm>>)
        tpu.yield
      }) : () -> ()
    } else {
    }
    return
  }
}

module attributes {stable_mosaic.version = 14 : i64} {
  func.func @body(%arg0: memref<32x10000xf32, #tpu.memory_space<vmem>>, %arg1: memref<10000x128xf32, #tpu.memory_space<vmem>>, %arg2: memref<10000x128xf32, #tpu.memory_space<vmem>>) attributes {dimension_semantics = [], scalar_prefetch = 0 : i64, scratch_operands = 0 : i64, tpu.core_type = #tpu.core_type<tc>} {
    %get3A = arith.constant 0 : index
    %get3A_0 = arith.constant 0 : index
    %get3A_1 = vector.load %arg0[%get3A, %get3A_0] : memref<32x10000xf32, #tpu.memory_space<vmem>>, vector<32x10000xf32>
    %reduce_sum3A = arith.constant dense<0.000000e+00> : vector<10000xf32>
    %reduce_sum3A_2 = vector.multi_reduction <add>, %get3A_1, %reduce_sum3A [0] : vector<32x10000xf32> to vector<10000xf32>
    %rsqrt3A = math.rsqrt %reduce_sum3A_2 : vector<10000xf32>
    %broadcast_in_dim3A = vector.shape_cast %rsqrt3A : vector<10000xf32> to vector<10000x1xf32>
    %get3A_3 = arith.constant 0 : index
    %get3A_4 = arith.constant 0 : index
    %get3A_5 = vector.load %arg1[%get3A_3, %get3A_4] : memref<10000x128xf32, #tpu.memory_space<vmem>>, vector<10000x128xf32>
    %mul3A = vector.broadcast %broadcast_in_dim3A : vector<10000x1xf32> to vector<10000x128xf32>
    %mul3A_6 = arith.mulf %get3A_5, %mul3A : vector<10000x128xf32>
    %swap3A = arith.constant 0 : index
    %swap3A_7 = arith.constant 0 : index
    %swap3A_8 = vector.load %arg2[%swap3A, %swap3A_7] : memref<10000x128xf32, #tpu.memory_space<vmem>>, vector<10000x128xf32>
    tpu.vector_store %arg2[%swap3A, %swap3A_7], %mul3A_6 {strides = array<i32>} : memref<10000x128xf32, #tpu.memory_space<vmem>>, vector<10000x128xf32>,
    return
  }
}

module attributes {stable_mosaic.version = 14 : i64} {
  func.func @body(%arg0: memref<32x10000xf32, #tpu.memory_space<vmem>>, %arg1: memref<2x10000x128xf32, #tpu.memory_space<vmem>>, %arg2: memref<10000x128xf32, #tpu.memory_space<vmem>>, %arg3: memref<10000x128xf32, #tpu.memory_space<vmem>>) attributes {dimension_semantics = [], scalar_prefetch = 0 : i64, scratch_operands = 0 : i64, tpu.core_type = #tpu.core_type<tc>} {
    %get3A = arith.constant 0 : index
    %get3A_0 = arith.constant 0 : index
    %get3A_1 = vector.load %arg0[%get3A, %get3A_0] : memref<32x10000xf32, #tpu.memory_space<vmem>>, vector<32x10000xf32>
    %reduce_sum3A = arith.constant dense<0.000000e+00> : vector<10000xf32>
    %reduce_sum3A_2 = vector.multi_reduction <add>, %get3A_1, %reduce_sum3A [0] : vector<32x10000xf32> to vector<10000xf32>
    %rsqrt3A = math.rsqrt %reduce_sum3A_2 : vector<10000xf32>
    %broadcast_in_dim3A = vector.shape_cast %rsqrt3A : vector<10000xf32> to vector<10000x1xf32>
    %get3A_3 = arith.constant 0 : index
    %get3A_4 = arith.constant 0 : index
    %get3A_5 = arith.constant 0 : index
    %get3A_6 = vector.load %arg1[%get3A_3, %get3A_4, %get3A_5] : memref<2x10000x128xf32, #tpu.memory_space<vmem>>, vector<1x10000x128xf32>
    %get3A_7 = vector.shape_cast %get3A_6 : vector<1x10000x128xf32> to vector<10000x128xf32>
    %get3A_8 = arith.constant 1 : index
    %get3A_9 = arith.constant 0 : index
    %get3A_10 = arith.constant 0 : index
    %get3A_11 = vector.load %arg1[%get3A_8, %get3A_9, %get3A_10] : memref<2x10000x128xf32, #tpu.memory_space<vmem>>, vector<1x10000x128xf32>
    %get3A_12 = vector.shape_cast %get3A_11 : vector<1x10000x128xf32> to vector<10000x128xf32>
    %add3A = arith.addf %get3A_7, %get3A_12 : vector<10000x128xf32>
    %mul3A = vector.broadcast %broadcast_in_dim3A : vector<10000x1xf32> to vector<10000x128xf32>
    %mul3A_13 = arith.mulf %add3A, %mul3A : vector<10000x128xf32>
    %swap3A = arith.constant 0 : index
    %swap3A_14 = arith.constant 0 : index
    %swap3A_15 = vector.load %arg2[%swap3A, %swap3A_14] : memref<10000x128xf32, #tpu.memory_space<vmem>>, vector<10000x128xf32>
    tpu.vector_store %arg2[%swap3A, %swap3A_14], %mul3A_13 {strides = array<i32>} : memref<10000x128xf32, #tpu.memory_space<vmem>>, vector<10000x128xf32>,
    %mul3A_16 = vector.broadcast %broadcast_in_dim3A : vector<10000x1xf32> to vector<10000x128xf32>
    %mul3A_17 = arith.mulf %mul3A_13, %mul3A_16 : vector<10000x128xf32>
    %swap3A_18 = arith.constant 0 : index
    %swap3A_19 = arith.constant 0 : index
    %swap3A_20 = vector.load %arg3[%swap3A_18, %swap3A_19] : memref<10000x128xf32, #tpu.memory_space<vmem>>, vector<10000x128xf32>
    tpu.vector_store %arg3[%swap3A_18, %swap3A_19], %mul3A_17 {strides = array<i32>} : memref<10000x128xf32, #tpu.memory_space<vmem>>, vector<10000x128xf32>,
    return
  }
}

module attributes {stable_mosaic.version = 14 : i64} {
  func.func @body(%arg0: memref<32x10000xf32, #tpu.memory_space<vmem>>, %arg1: memref<10000x128xf32, #tpu.memory_space<vmem>>, %arg2: memref<10000x128xf32, #tpu.memory_space<vmem>>, %arg3: memref<2x10000x128xf32, #tpu.memory_space<vmem>>, %arg4: memref<3x128x128xf32, #tpu.memory_space<vmem>>, %arg5: memref<1x128xf32, #tpu.memory_space<vmem>>, %arg6: memref<10000x128xf32, #tpu.memory_space<vmem>>) attributes {dimension_semantics = [], scalar_prefetch = 0 : i64, scratch_operands = 0 : i64, tpu.core_type = #tpu.core_type<tc>} {
    %get3A = arith.constant 0 : index
    %get3A_0 = arith.constant 0 : index
    %get3A_1 = vector.load %arg0[%get3A, %get3A_0] : memref<32x10000xf32, #tpu.memory_space<vmem>>, vector<32x10000xf32>
    %reduce_sum3A = arith.constant dense<0.000000e+00> : vector<10000xf32>
    %reduce_sum3A_2 = vector.multi_reduction <add>, %get3A_1, %reduce_sum3A [0] : vector<32x10000xf32> to vector<10000xf32>
    %rsqrt3A = math.rsqrt %reduce_sum3A_2 : vector<10000xf32>
    %broadcast_in_dim3A = vector.shape_cast %rsqrt3A : vector<10000xf32> to vector<10000x1xf32>
    %get3A_3 = arith.constant 0 : index
    %get3A_4 = arith.constant 0 : index
    %get3A_5 = arith.constant 0 : index
    %get3A_6 = vector.load %arg3[%get3A_3, %get3A_4, %get3A_5] : memref<2x10000x128xf32, #tpu.memory_space<vmem>>, vector<1x10000x128xf32>
    %get3A_7 = vector.shape_cast %get3A_6 : vector<1x10000x128xf32> to vector<10000x128xf32>
    %get3A_8 = arith.constant 1 : index
    %get3A_9 = arith.constant 0 : index
    %get3A_10 = arith.constant 0 : index
    %get3A_11 = vector.load %arg3[%get3A_8, %get3A_9, %get3A_10] : memref<2x10000x128xf32, #tpu.memory_space<vmem>>, vector<1x10000x128xf32>
    %get3A_12 = vector.shape_cast %get3A_11 : vector<1x10000x128xf32> to vector<10000x128xf32>
    %add3A = arith.addf %get3A_7, %get3A_12 : vector<10000x128xf32>
    %mul3A = vector.broadcast %broadcast_in_dim3A : vector<10000x1xf32> to vector<10000x128xf32>
    %mul3A_13 = arith.mulf %add3A, %mul3A : vector<10000x128xf32>
    %get3A_14 = arith.constant 0 : index
    %get3A_15 = arith.constant 0 : index
    %get3A_16 = vector.load %arg1[%get3A_14, %get3A_15] : memref<10000x128xf32, #tpu.memory_space<vmem>>, vector<10000x128xf32>
    %get3A_17 = arith.constant 0 : index
    %get3A_18 = arith.constant 0 : index
    %get3A_19 = arith.constant 0 : index
    %get3A_20 = vector.load %arg4[%get3A_17, %get3A_18, %get3A_19] : memref<3x128x128xf32, #tpu.memory_space<vmem>>, vector<1x128x128xf32>
    %get3A_21 = vector.shape_cast %get3A_20 : vector<1x128x128xf32> to vector<128x128xf32>
    %dot_general3A = arith.constant dense<0.000000e+00> : vector<10000x128xf32>
    %dot_general3A_22 = tpu.matmul %get3A_16, %get3A_21, %dot_general3A {dimension_numbers = #tpu.dot_dimension_numbers<[1], [0], [0], [1], [0, 0, 1, 1], [], []>, transpose_lhs_hint = false} : vector<10000x128xf32>, vector<128x128xf32>, vector<10000x128xf32> -> vector<10000x128xf32>
    %get3A_23 = arith.constant 0 : index
    %get3A_24 = arith.constant 0 : index
    %get3A_25 = vector.load %arg2[%get3A_23, %get3A_24] : memref<10000x128xf32, #tpu.memory_space<vmem>>, vector<10000x128xf32>
    %get3A_26 = arith.constant 1 : index
    %get3A_27 = arith.constant 0 : index
    %get3A_28 = arith.constant 0 : index
    %get3A_29 = vector.load %arg4[%get3A_26, %get3A_27, %get3A_28] : memref<3x128x128xf32, #tpu.memory_space<vmem>>, vector<1x128x128xf32>
    %get3A_30 = vector.shape_cast %get3A_29 : vector<1x128x128xf32> to vector<128x128xf32>
    %dot_general3A_31 = arith.constant dense<0.000000e+00> : vector<10000x128xf32>
    %dot_general3A_32 = tpu.matmul %get3A_25, %get3A_30, %dot_general3A_31 {dimension_numbers = #tpu.dot_dimension_numbers<[1], [0], [0], [1], [0, 0, 1, 1], [], []>, transpose_lhs_hint = false} : vector<10000x128xf32>, vector<128x128xf32>, vector<10000x128xf32> -> vector<10000x128xf32>
    %add3A_33 = arith.addf %dot_general3A_22, %dot_general3A_32 : vector<10000x128xf32>
    %get3A_34 = arith.constant 2 : index
    %get3A_35 = arith.constant 0 : index
    %get3A_36 = arith.constant 0 : index
    %get3A_37 = vector.load %arg4[%get3A_34, %get3A_35, %get3A_36] : memref<3x128x128xf32, #tpu.memory_space<vmem>>, vector<1x128x128xf32>
    %get3A_38 = vector.shape_cast %get3A_37 : vector<1x128x128xf32> to vector<128x128xf32>
    %dot_general3A_39 = arith.constant dense<0.000000e+00> : vector<10000x128xf32>
    %dot_general3A_40 = tpu.matmul %mul3A_13, %get3A_38, %dot_general3A_39 {dimension_numbers = #tpu.dot_dimension_numbers<[1], [0], [0], [1], [0, 0, 1, 1], [], []>, transpose_lhs_hint = false} : vector<10000x128xf32>, vector<128x128xf32>, vector<10000x128xf32> -> vector<10000x128xf32>
    %add3A_41 = arith.addf %add3A_33, %dot_general3A_40 : vector<10000x128xf32>
    %get3A_42 = arith.constant 0 : index
    %get3A_43 = arith.constant 0 : index
    %get3A_44 = vector.load %arg5[%get3A_42, %get3A_43] : memref<1x128xf32, #tpu.memory_space<vmem>>, vector<1x128xf32>
    %add3A_45 = vector.broadcast %get3A_44 : vector<1x128xf32> to vector<10000x128xf32>
    %add3A_46 = arith.addf %add3A_41, %add3A_45 : vector<10000x128xf32>
    %swap3A = arith.constant 0 : index
    %swap3A_47 = arith.constant 0 : index
    %swap3A_48 = vector.load %arg6[%swap3A, %swap3A_47] : memref<10000x128xf32, #tpu.memory_space<vmem>>, vector<10000x128xf32>
    tpu.vector_store %arg6[%swap3A, %swap3A_47], %add3A_46 {strides = array<i32>} : memref<10000x128xf32, #tpu.memory_space<vmem>>, vector<10000x128xf32>,
    return
  }
}

</mosaic_0001>

<sc_bundles>
// kernel: kernel.11.cloned.1.call-start
scs
__scs_entry_jumppad:
0x0: {  	(pc) =	sbr.rel $0x88, $3  }
0x1: {  	(tag) =	ssettag $0x0;
	lr =	simm.s32 $0x1  }
0x2: {  	[smem:$0x3F9D] =	sst lr;
	_ =	strace $0xD0000000  }
0x3: {  	_ = 	snop  }
0x4: {  	_ = 	snop  }
0x5: {  	_ = 	snop  }
0x6: {  	_ = 	snop  }
0x7: {  	_ = 	snop  }
__scs_overlays_trampoline_lowered:
0x8: {  	[smem:$0x3FAC] =	sst s0  }
0x9: {  	[smem:$0x3FAD] =	sst s1  }
0xa: {  	[smem:$0x3FAE] =	sst s2  }
0xb: {  	[smem:$0x3FAF] =	sst s3  }
0xc: {  	[smem:$0x3FB0] =	sst s4  }
0xd: {  	[smem:$0x3FB1] =	sst s5  }
0xe: {  	[smem:$0x3FB2] =	sst s6  }
0xf: {  	[smem:$0x3FB3] =	sst s7  }
0x10: {  	[smem:$0x3FB4] =	sst s8  }
0x11: {  	[smem:$0x3FB5] =	sst s9;
	s0 =	simm.s32 @!p0 $0x0  }
0x12: {  	s1 =	sld [smem:$0x3F9B];
	s0 =	simm.s32 @p0 $0x1  }
0x13: {  	[smem:$0x3FB6] =	sst s0;
	s0 =	simm.s32 @!p1 $0x0  }
0x14: {  	s2 =	sld [smem:$0x3F9A];
	s0 =	simm.s32 @p1 $0x1  }
0x15: {  	[smem:$0x3FB7] =	sst s0;
	s0 =	simm.s32 @!p2 $0x0  }
0x16: {  	s3 =	sld [smem:$0x3FDB];
	s0 =	simm.s32 @p2 $0x1  }
0x17: {  	s4 =	simm.s32 $0x1BF5;
	[smem:$0x3FB9] =	sst s0  }
0x18: {  	s0 =	sld [smem:$0x3F9C];
	_ =	swait.ge [sflag:s4], $0x0  }
0x19: {  	s7 =	sld [smem:$0x3F9D]  }
0x1a: {  	s8 =	sadd.s32 $0xFFFFE003, lr  }
0x1b: {  	s9 =	sadd.s32 $0xFFFFFEF7, lr;
	s5 =	simm.s32 $0xFFFFFFFF;
	p2 =	slt.u32 s8, $0xFFFFF086  }
0x1c: {  	p1 =	slt.u32 s9, $0xF7A;
	s5 =	simm.s32 @!p2 $0x0  }
0x1d: {  	s5 =	simm.s32 @p1 $0x1;
	p0 =	seq.s32 s7, s2  }
0x1e: {  	s7 =	smul.u32 @!p0 $0xF7A, s2;
	p2 =	seq.s32 @!p0 s5, $0x0  }
0x1f: {  	s9 =	smul.u32 $0xF7A, s1;
	s8 =	simm.s32 @!p0 $0x1BF5;
	p2 =	por !p2, p0  }
0x20: {  	[sflag:s8] =	ssyncset.s32 @!p0 $0xFFFFF086;
	s6 =	sadd.s32 @!p0 s3, s7;
	s7 =	simm.s32 @!p0 $0x108  }
0x21: {  	s3 =	sadd.s32 s3, s9;
	s6 =	sadd.s32 @!p0 $0x88, s6;
	s7 =	simm.s32 @p2 $0x1082  }
0x22: {  	[simem:s7], [sflag:s8] =	dma.local @!p0 [hbm:s6], $0xF7A  }
0x23: {  	s9 =	sor.u32 $0xD0000000, s2;
	s6 =	simm.s32 $0x108;
	_ =	swait.ge @!p0 [sflag:s8], $0x0  }
0x24: {  	s3 =	sadd.s32 $0x88, s3;
	s6 =	simm.s32 @!p1 $0x1082;
	[sflag:s4] =	ssyncset.s32 $0xFFFFF086  }
0x25: {  	[simem:s6], [sflag:s4] =	dma.local [hbm:s3], $0xF7A  }
0x26: {  	[smem:$0x3F9D] =	sst s1;
	(tag) =	ssettag s2;
	_ =	strace s9  }
0x27: {  	s1 =	sld [smem:$0x3FAD]  }
0x28: {  	s2 =	sld [smem:$0x3FAE]  }
0x29: {  	s4 =	sld [smem:$0x3FB0]  }
0x2a: {  	p0 =	seq.s32 s5, $0x0;
	s5 =	sld [smem:$0x3FB1]  }
0x2b: {  	s6 =	sld [smem:$0x3FB2]  }
0x2c: {  	s7 =	sld [smem:$0x3FB3]  }
0x2d: {  	s3 =	simm.s32 $0x108;
	s8 =	sld [smem:$0x3FB4]  }
0x2e: {  	s3 =	simm.s32 @!p0 $0x1082;
	s9 =	sld [smem:$0x3FB5]  }
0x2f: {  	lr =	sadd.s32 s0, s3;
	s0 =	sld [smem:$0x3FAC]  }
0x30: {  	s3 =	sld [smem:$0x3FAF]  }
0x31: {  	[smem:$0x3FB8] =	sst s10  }
0x32: {  	s10 =	sld [smem:$0x3FB6];
	_ =	sdelay $0x3  }
0x33: {  	p0 =	seq.s32 s10, $0x1;
	s10 =	sld [smem:$0x3FB8];
	_ =	sdelay $0x3  }
0x34: {  	[smem:$0x3FB8] =	sst s10  }
0x35: {  	s10 =	sld [smem:$0x3FB7];
	_ =	sdelay $0x3  }
0x36: {  	p1 =	seq.s32 s10, $0x1;
	s10 =	sld [smem:$0x3FB8];
	_ =	sdelay $0x3  }
0x37: {  	[smem:$0x3FB8] =	sst s10  }
0x38: {  	s10 =	sld [smem:$0x3FB9]  }
0x39: {  	_ = 	snop;
	(pc) =	sbr.ind lr, $3  }
0x3a: {  	_ = 	snop  }
0x3b: {  	_ = 	snop  }
0x3c: {  	p2 =	seq.s32 s10, $0x1;
	s10 =	sld [smem:$0x3FB8]  }
0x3d: {  	_ =	shalt  }
0x3e: {  	_ =	shalt  }
0x3f: {  	_ =	shalt  }
0x40: {  	_ =	shalt  }
0x41: {  	_ =	shalt  }
0x42: {  	_ =	shalt  }
0x43: {  	_ =	shalt  }
0x44: {  	_ =	shalt  }
0x45: {  	_ =	shalt  }
0x46: {  	_ =	shalt  }
0x47: {  	_ =	shalt  }
0x48: {  	_ =	shalt  }
0x49: {  	_ =	shalt  }
0x4a: {  	_ =	shalt  }
0x4b: {  	_ =	shalt  }
0x4c: {  	_ =	shalt  }
0x4d: {  	_ =	shalt  }
0x4e: {  	_ =	shalt  }
0x4f: {  	_ =	shalt  }
0x50: {  	_ =	shalt  }
0x51: {  	_ =	shalt  }
0x52: {  	_ =	shalt  }
0x53: {  	_ =	shalt  }
0x54: {  	_ =	shalt  }
0x55: {  	_ =	shalt  }
0x56: {  	_ =	shalt  }
0x57: {  	_ =	shalt  }
0x58: {  	_ =	shalt  }
0x59: {  	_ =	shalt  }
0x5a: {  	_ =	shalt  }
0x5b: {  	_ =	shalt  }
0x5c: {  	_ =	shalt  }
0x5d: {  	_ =	shalt  }
0x5e: {  	_ =	shalt  }
0x5f: {  	_ =	shalt  }
0x60: {  	_ =	shalt  }
0x61: {  	_ =	shalt  }
0x62: {  	_ =	shalt  }
0x63: {  	_ =	shalt  }
0x64: {  	_ =	shalt  }
0x65: {  	_ =	shalt  }
0x66: {  	_ =	shalt  }
0x67: {  	_ =	shalt  }
0x68: {  	_ =	shalt  }
0x69: {  	_ =	shalt  }
0x6a: {  	_ =	shalt  }
0x6b: {  	_ =	shalt  }
0x6c: {  	_ =	shalt  }
0x6d: {  	_ =	shalt  }
0x6e: {  	_ =	shalt  }
0x6f: {  	_ =	shalt  }
0x70: {  	_ =	shalt  }
0x71: {  	_ =	shalt  }
0x72: {  	_ =	shalt  }
0x73: {  	_ =	shalt  }
0x74: {  	_ =	shalt  }
0x75: {  	_ =	shalt  }
0x76: {  	_ =	shalt  }
0x77: {  	_ =	shalt  }
0x78: {  	_ =	shalt  }
0x79: {  	_ =	shalt  }
0x7a: {  	_ =	shalt  }
0x7b: {  	_ =	shalt  }
0x7c: {  	_ =	shalt  }
0x7d: {  	_ =	shalt  }
0x7e: {  	_ =	shalt  }
0x7f: {  	_ =	shalt  }
0x80: {  	_ =	shalt  }
0x81: {  	_ =	shalt  }
0x82: {  	_ =	shalt  }
0x83: {  	_ =	shalt  }
0x84: {  	_ =	shalt  }
0x85: {  	_ =	shalt  }
0x86: {  	_ =	shalt  }
0x87: {  	_ =	shalt  }
.Lfunc_end0:
.L_simem_size_0:
called_computation.1_lowered:
.L_overlay_start_0:
0x88: {  	s2 =	sld [smem:$0x3FD9]  }
0x89: {  	s3 =	sld [smem:$0x3FFE];
	_ =	sdelay $0x1  }
0x8a: {  	s1 =	srdreg.scid  }
0x8b: {  	s0 =	sand.u32 $0x1, s1  }
0x8c: {  	s17 =	sshll.u32 s0, $0xA;
	s2 =	sadd.s32 s3, s2  }
0x8d: {  	s2 =	sadd.s32 s2, s17  }
0x8e: {  	[smem:$0x3FC4] =	sst s2  }
0x8f: {  	_ = 	snop  }
0x90: {  	s2 =	sld [smem:$0x3FD0];
	(tm) =	ssettm $0x1  }
0x91: {  	s18 =	sld [smem:$0x3FFB];
	_ =	sdelay $0x3  }
0x92: {  	_ =	strace s18  }
0x93: {  	s3 =	sld [smem:$0x3FFC];
	_ =	sdelay $0x3  }
0x94: {  	_ =	strace s3  }
0x95: {  	s3 =	sld [smem:$0x3FFD];
	_ =	sdelay $0x3  }
0x96: {  	_ =	strace s3  }
0x97: {  	_ =	strace $0x8FFFFFFF  }
0x98: {  	s19 =	sld [smem:$0x3FDB];
	_ =	sdelay $0x1  }
0x99: {  	s4 =	simm.s32 $_scs_section_size  }
0x9a: {  	s5 =	simm.s32 $_size__tile_overlayer_lowered;
	s6 =	simm.s32 $_tile_overlayer_lowered  }
0x9b: {  	s22 =	simm.s32 $0x1BFF;
	s21 =	sshll.u32 s6, $0x1;
	s3 =	sadd.s32 s4, s19  }
0x9c: {  	s7 =	simm.s32 $0x0;
	s20 =	sshll.u32 s5, $0x1;
	s5 =	sadd.s32 s21, s3  }
0x9d: {  	[timem:s7], [sflag:s22] =	dma.local [hbm:s5], s20  }
0x9e: {  	_ =	swait.ge [sflag:s22], s20  }
0x9f: {  	s4 =	ssub.s32 $0x0, s20;
	[sflag:s22] =	ssyncset.done $0x0  }
0xa0: {  	[sflag:s22] =	ssyncadd.s32 s4;
	_ =	sdelay $0x1  }
0xa1: {  	s23 =	simm.s32 $0x1B8B  }
0xa2: {  	_ =	swait.ge [sflag:s23], $0x1  }
0xa3: {  	[sflag:s23] =	ssyncset.done $0x0  }
0xa4: {  	s25 =	simm.s32 $0x1B8E;
	s24 =	sld [smem:$0x3FFE];
	[sflag:s23] =	ssyncadd.s32 $0xFFFFFFFF  }
0xa5: {  	s26 =	simm.s32 $execute0_lowered;
	[smem:$0x3FD2] =	sst s25  }
0xa6: {  	s5 =	sshll.u32 s26, $0x1;
	_ =	strace $0x80000049;
	[dreg:$0x1] =	wrdreg $0xFFFFFFFF  }
0xa7: {  	s28 =	simm.s32 $_size_execute0_lowered;
	s3 =	sadd.s32 s3, s5;
	[dreg:$0x0] =	wrdreg $0x0  }
0xa8: {  	s5 =	sshll.u32 s28, $0x1;
	[dreg:$0x2] =	wrdreg s3  }
0xa9: {  	[dreg:$0x3] =	wrdreg s5  }
0xaa: {  	[dreg:$0x4] =	wrdreg $0xC0  }
0xab: {  	_ =	task [dreg:s7], $0x5FFFF  }
0xac: {  	[dreg:$0x1] =	wrdreg $0xFFFFFFFF  }
0xad: {  	[dreg:$0x0] =	wrdreg $0x60  }
0xae: {  	[dreg:$0x2] =	wrdreg s2  }
0xaf: {  	[dreg:$0x3] =	wrdreg s24  }
0xb0: {  	[dreg:$0x4] =	wrdreg $0xB7800  }
0xb1: {  	[dreg:$0x5] =	wrdreg $0x9  }
0xb2: {  	_ =	task.clear_ibuf [dreg:s7], $0x6FFFF;
	_ =	strace $0x90000049  }
0xb3: {  	s29 =	simm.s32 $0x9;
	_ =	strace $0x8000004B  }
0xb4: {  	_ =	swait.ge [sflag:s29], $0x1  }
0xb5: {  	[sflag:s29] =	ssyncadd.s32 $0xFFFFFFFF  }
0xb6: {  	_ =	strace $0x9000004B  }
0xb7: {  	_ =	sfence  }
0xb8: {  	s30 =	sld [smem:$0x0];
	_ =	sdelay $0x2  }
0xb9: {  	s31 =	sshll.u32 s1, $0xD;
	s1 =	sshrl.u32 s1, $0x2  }
0xba: {  	s3 =	sand.u32 $0x4000, s31;
	s1 =	sadd.s32 s1, s30  }
0xbb: {  	s0 =	sor.u32 s3, s0;
	s1 =	sshll.u32 s1, $0x11  }
0xbc: {  	s0 =	sor.u32 s1, s0  }
0xbd: {  	s0 =	sadd.s32 $0x8F2B, s0  }
0xbe: {  	[sflag:s0] =	ssyncadd.remote.s32 $0x1  }
0xbf: {  	_ =	sfence.sel $0xFFFF  }
0xc0: {  	[dreg:$0x0] =	wrdreg $0xFFFFFFFF;
	(pc) =	sbr.abs _section_cstart, $3  }
0xc1: {  	[dreg:$0x1] =	wrdreg $0xFFFFFFFF  }
0xc2: {  	_ =	task.clear_ibuf [dreg:s7], $0x2FFFF;
	_ =	strace $0x9FFFFFFF  }
0xc3: {  	(tm) =	ssettm $0x7FFFFFFF  }
tec
execute0_lowered:
.L_overlay_start_1:
0x0: {  	(tag) =	ssettag $0x1  }
0x1: {  	s1 =	rddreg [dreg:$0x0]  }
0x2: {  	s2 =	srdreg.scid;
	s6 =	rddreg [dreg:$0x1]  }
0x3: {  	s0 =	stileid.u32;
	s3 =	rddreg [dreg:$0x2];
	s4 =	simm.s32 $0x0  }
0x4: {  	s12 =	simm.s32 $0x3;
	s13 =	simm.s32 $0x2780;
	s17 =	simm.s32 $0x6780  }
0x5: {  	s18 =	simm.s32 $0x50;
	s19 =	simm.s32 $0x8F80;
	s20 =	simm.s32 $0x1  }
0x6: {  	s21 =	simm.s32 $0x4;
	s22 =	simm.s32 $0x2;
	s23 =	simm.s32 $0x6580  }
0x7: {  	s25 =	simm.s32 $0x0;
	s5 =	sand.u32 $0x1, s2;
	s26 =	sshll.u32 s0, $0x1  }
0x8: {  	s28 =	sshrl.u32 s0, $0x2;
	s2 =	rddreg [dreg:$0x3];
	s11 =	smul.u32 $0x4E000, s0  }
0x9: {  	[smem:$0x7FF] =	sst s4;
	s16 =	sadd.s32 $0x138000, s3;
	s24 =	smul.u32 $0x2700, s0  }
0xa: {  	p0 =	sne.s32 s0, $0xF;
	s14 =	sshll.u32 s0, $0x6;
	s8 =	smul.u32 $0x13C00, s28  }
0xb: {  	s7 =	sor.u32 s5, s26;
	_ =	strace $0x8000004A;
	s29 =	smul.u32 $0x27100, s5  }
0xc: {  	s10 =	ssub.s32 $0x2, s5;
	s5 =	sadd.s32 $0x1C00, s6;
	s14 =	sor.u32 $0x1C03, s14  }
0xd: {  	s16 =	sshrl.u32 @!p0 s16, $0x3;
	s9 =	sshll.u32 s7, $0x7;
	s7 =	sshll.u32 s7, $0xB  }
0xe: {  	s30 =	sshrl.u32 s10, $0x1;
	s31 =	sshrl.u32 s11, $0x2;
	s9 =	sand.u32 $0x380, s9  }
0xf: {  	s11 =	simm.s32 $0x400;
	s7 =	sadd.s32 s7, s6;
	s8 =	sor.u32 s8, s9  }
0x10: {  	s10 =	ssub.s32 s10, s30;
	s15 =	sadd.s32 s31, s3;
	s8 =	sshrl.u32 s8, $0x3  }
0x11: {  	s9 =	sadd.s32 s29, s6;
	s7 =	sadd.s32 $0xBA00, s7;
	s8 =	sadd.s32 s8, s6  }
0x12: {  	s15 =	sshrl.u32 s15, $0x3;
	s6 =	sadd.s32 $0x1BA00, s8;
	s8 =	sadd.s32 $0x25800, s9  }
0x13: {  	s9 =	smax.u32 s10, $0x1;
	s10 =	simm.s32 $0x80;
	s24 =	sadd.s32 s24, s8  }
.LBB2_1:
0x14: {  	[tilespmem:s4], [sflag:$0x3] =	stream.strided.gather [hbm4b:s6+s10], $0x2780, s11, s10, $0x38;
	[tilespmem:$0x1F000] =	vst v63  }
0x15: {  	_ =	swait.ge [sflag:s12], $0x2780  }
0x16: {  	[sflag:s12] =	ssyncset.done $0x0  }
0x17: {  	[sflag:s12] =	ssyncadd.s32 $0xFFFFD880  }
0x18: {  	[tilespmem:s13], [sflag:$0x3] =	stream.linear.gather [hbm4b:s7+s4], $0x3E80, $0x38;
	[tilespmem:$0x1F000] =	vst v63  }
0x19: {  	_ =	swait.ge [sflag:s12], $0x3E80  }
0x1a: {  	[sflag:s12] =	ssyncset.done $0x0  }
0x1b: {  	[sflag:s12] =	ssyncadd.s32 $0xFFFFC180  }
0x1c: {  	[spmem:s15], [sflag:s14] =	dma.local [hbm:s5], $0x2700  }
0x1d: {  	_ =	swait.ge [sflag:s12], $0x2700  }
0x1e: {  	[sflag:s12] =	ssyncset.done $0x0  }
0x1f: {  	s26 =	simm.s32 @!p0 $0x3;
	[sflag:s12] =	ssyncadd.s32 $0xFFFFD900  }
0x20: {  	[spmem:s16], [sflag:s14] =	dma.local @!p0 [hbm:s5], $0x100  }
0x21: {  	_ =	swait.ge @!p0 [sflag:s26], $0x100  }
0x22: {  	[sflag:s26] =	ssyncset.done @!p0 $0x0  }
0x23: {  	[sflag:s26] =	ssyncadd.s32 @!p0 $0xFFFFFF00  }
0x24: {  	[bflag:$0x0] =	sbarrier.arrive $0xFFFF  }
0x25: {  	[tilespmem:s17], [sflag:$0x1] =	stream.indirect.gather [hbm4b:s1+s18], $0x80, s4, s18, $0xb8;
	[tilespmem:$0x1F000] =	vst v63  }
0x26: {  	_ = 	snop  }
0x27: {  	[tilespmem:s19], [sflag:$0x2] =	stream.indirect.gather [hbm4b:s1+s18], $0x80, s18, s18, $0xb8;
	[tilespmem:$0x1F000] =	vst v63  }
0x28: {  	_ =	swait.ge [sflag:s20], $0x2800  }
0x29: {  	[sflag:s20] =	ssyncset.done $0x0  }
0x2a: {  	s29 =	simm.s32 $0x2780;
	[sflag:s20] =	ssyncadd.s32 $0xFFFFD800  }
0x2b: {  	[spmem:s3] =	stream.indirect.scatter.add.f32 [tilespmem:s17], [sflag:$0x4], $0x80, s29, s18, $0xb8;
	[tilespmem:$0x1F000] =	vst v63  }
0x2c: {  	_ =	swait.ge [sflag:s21], $0x2800  }
0x2d: {  	[sflag:s21] =	ssyncset.done $0x0  }
0x2e: {  	s30 =	simm.s32 $0xA0;
	[sflag:s21] =	ssyncadd.s32 $0xFFFFD800  }
0x2f: {  	[tilespmem:s17], [sflag:$0x1] =	stream.indirect.gather [hbm4b:s1+s18], $0x80, s30, s18, $0xb8;
	[tilespmem:$0x1F000] =	vst v63  }
0x30: {  	_ =	swait.ge [sflag:s22], $0x2800  }
0x31: {  	[sflag:s22] =	ssyncset.done $0x0  }
0x32: {  	s31 =	simm.s32 $0x2800;
	[sflag:s22] =	ssyncadd.s32 $0xFFFFD800  }
0x33: {  	[spmem:s3] =	stream.indirect.scatter.add.f32 [tilespmem:s19], [sflag:$0x3], $0x80, s31, s18, $0xb8;
	[tilespmem:$0x1F000] =	vst v63  }
0x34: {  	_ =	swait.ge [sflag:s12], $0x2800  }
0x35: {  	s28 =	simm.s32 $0x50;
	s26 =	simm.s32 $0x400;
	[sflag:s12] =	ssyncset.done $0x0  }
.LBB2_2:
0x36: {  	p1 =	sne.s32 s26, $0xF400;
	[sflag:s12] =	ssyncadd.s32 $0xFFFFD800;
	s28 =	sadd.s32 $0xA0, s28  }
0x37: {  	[tilespmem:s19], [sflag:$0x2] =	stream.indirect.gather [hbm4b:s1+s18], $0x80, s28, s18, $0xb8;
	[tilespmem:$0x1F000] =	vst v63  }
0x38: {  	s29 =	smov.u32 s26;
	s26 =	sadd.s32 $0x400, s26;
	_ =	swait.ge [sflag:s20], $0x2800  }
0x39: {  	s29 =	sshra.s32 s29, $0x2;
	[sflag:s20] =	ssyncset.done $0x0  }
0x3a: {  	s30 =	sadd.s32 $0x2780, s29;
	[sflag:s20] =	ssyncadd.s32 $0xFFFFD800  }
0x3b: {  	[spmem:s3] =	stream.indirect.scatter.add.f32 [tilespmem:s17], [sflag:$0x4], $0x80, s30, s18, $0xb8;
	[tilespmem:$0x1F000] =	vst v63  }
0x3c: {  	_ =	swait.ge [sflag:s21], $0x2800  }
0x3d: {  	[sflag:s21] =	ssyncset.done $0x0  }
0x3e: {  	s30 =	sadd.s32 $0x50, s28;
	[sflag:s21] =	ssyncadd.s32 $0xFFFFD800  }
0x3f: {  	[tilespmem:s17], [sflag:$0x1] =	stream.indirect.gather [hbm4b:s1+s18], $0x80, s30, s18, $0xb8;
	[tilespmem:$0x1F000] =	vst v63  }
0x40: {  	_ =	swait.ge [sflag:s22], $0x2800  }
.Ltmp0:
0x41: {  	[sflag:s22] =	ssyncset.done $0x0;
	(pc) =	sbr.rel @p1 .LBB2_2-.Ltmp0, $4  }
0x42: {  	s29 =	sadd.s32 $0x2800, s29;
	[sflag:s22] =	ssyncadd.s32 $0xFFFFD800  }
0x43: {  	[spmem:s3] =	stream.indirect.scatter.add.f32 [tilespmem:s19], [sflag:$0x3], $0x80, s29, s18, $0xb8;
	[tilespmem:$0x1F000] =	vst v63  }
0x44: {  	_ =	swait.ge [sflag:s12], $0x2800  }
0x45: {  	[sflag:s12] =	ssyncset.done $0x0  }
0x46: {  	[sflag:s12] =	ssyncadd.s32 $0xFFFFD800  }
0x47: {  	_ =	swait.ge [sflag:s20], $0x2800  }
0x48: {  	[sflag:s20] =	ssyncset.done $0x0  }
0x49: {  	[sflag:s20] =	ssyncadd.s32 $0xFFFFD800  }
0x4a: {  	[spmem:s3] =	stream.indirect.scatter.add.f32 [tilespmem:s17], [sflag:$0x4], $0x80, s23, s18, $0xb8;
	[tilespmem:$0x1F000] =	vst v63  }
0x4b: {  	_ =	swait.ge [sflag:s21], $0x2800  }
0x4c: {  	[sflag:s21] =	ssyncset.done $0x0  }
0x4d: {  	[sflag:s21] =	ssyncadd.s32 $0xFFFFD800  }
0x4e: {  	[bflag:$0x0] =	sbarrier.arrive $0xFFFF  }
0x4f: {  	[hbm:s24], [sflag:s14] =	dma.local [spmem:s15], $0x2700  }
0x50: {  	_ =	swait.ge [sflag:s12], $0x2700  }
0x51: {  	s25 =	sadd.s32 $0x1, s25;
	[sflag:s12] =	ssyncset.done $0x0  }
0x52: {  	s26 =	sadd.s32 @!p0 $0x27000, s8;
	p1 =	sne.s32 s25, s9;
	[sflag:s12] =	ssyncadd.s32 $0xFFFFD900  }
0x53: {  	[hbm:s26], [sflag:s14] =	dma.local @!p0 [spmem:s16], $0x100  }
.Ltmp1:
0x54: {  	_ = 	snop;
	(pc) =	sbr.rel @p1 .LBB2_1-.Ltmp1, $4  }
0x55: {  	s26 =	simm.s32 @!p0 $0x3  }
0x56: {  	_ =	swait.ge @!p0 [sflag:s26], $0x100  }
0x57: {  	[sflag:s26] =	ssyncset.done @!p0 $0x0  }
0x58: {  	[sflag:s26] =	ssyncadd.s32 @!p0 $0xFFFFFF00  }
0x59: {  	_ =	sfence.sel $0x180000  }
0x5a: {  	[bflag:$0x0] =	sbarrier.arrive $0xFFFF  }
0x5b: {  	p0 =	sne.s32 s0, $0x0;
	_ =	strace $0x9000004A  }
0x5c: {  	s0 =	sadd.s32 @!p0 $0x100000, s2;
	[bflag:$0x2] =	sbarrier.arrive $0xFFFF  }
0x5d: {  	[sflag:s0] =	ssyncadd.tile.s32 @!p0 $0x1;
	_ =	shalt  }
.Lfunc_end2:
_tile_overlayer_lowered:
.L_overlay_start_2:
0x5e: {  	(tag) =	ssettag $0x2  }
0x5f: {  	s0 =	rddreg [dreg:$0x0];
	s2 =	stileid.u32  }
0x60: {  	s1 =	rddreg [dreg:$0x1];
	p0 =	sne.s32 s2, $0x0  }
0x61: {  	s3 =	rddreg [dreg:$0x2];
	[bflag:$0x3] =	sbarrier.arrive $0xFFFF;
	s2 =	simm.s32 @!p0 $0x1C03  }
0x62: {  	[timem:s3], [sflag:s2] =	dma.local @!p0 [hbm:s0], s1  }
0x63: {  	s0 =	simm.s32 @!p0 $0x3  }
0x64: {  	_ =	swait.ge @!p0 [sflag:s0], s1  }
0x65: {  	s1 =	ssub.s32 @!p0 $0x0, s1;
	[sflag:s0] =	ssyncset.done @!p0 $0x0  }
0x66: {  	[sflag:s0] =	ssyncadd.s32 @!p0 s1  }
0x67: {  	[bflag:$0x3] =	sbarrier.arrive $0xFFFF  }
0x68: {  	_ =	shalt  }

// kernel: kernel.14.cloned.1.call-start
scs
__scs_entry_jumppad:
0x0: {  	(pc) =	sbr.rel $0x88, $3  }
0x1: {  	(tag) =	ssettag $0x0;
	lr =	simm.s32 $0x1  }
0x2: {  	[smem:$0x3F9D] =	sst lr;
	_ =	strace $0xD0000000  }
0x3: {  	_ = 	snop  }
0x4: {  	_ = 	snop  }
0x5: {  	_ = 	snop  }
0x6: {  	_ = 	snop  }
0x7: {  	_ = 	snop  }
__scs_overlays_trampoline_lowered:
0x8: {  	[smem:$0x3FAC] =	sst s0  }
0x9: {  	[smem:$0x3FAD] =	sst s1  }
0xa: {  	[smem:$0x3FAE] =	sst s2  }
0xb: {  	[smem:$0x3FAF] =	sst s3  }
0xc: {  	[smem:$0x3FB0] =	sst s4  }
0xd: {  	[smem:$0x3FB1] =	sst s5  }
0xe: {  	[smem:$0x3FB2] =	sst s6  }
0xf: {  	[smem:$0x3FB3] =	sst s7  }
0x10: {  	[smem:$0x3FB4] =	sst s8  }
0x11: {  	[smem:$0x3FB5] =	sst s9;
	s0 =	simm.s32 @!p0 $0x0  }
0x12: {  	s1 =	sld [smem:$0x3F9B];
	s0 =	simm.s32 @p0 $0x1  }
0x13: {  	[smem:$0x3FB6] =	sst s0;
	s0 =	simm.s32 @!p1 $0x0  }
0x14: {  	s2 =	sld [smem:$0x3F9A];
	s0 =	simm.s32 @p1 $0x1  }
0x15: {  	[smem:$0x3FB7] =	sst s0;
	s0 =	simm.s32 @!p2 $0x0  }
0x16: {  	s3 =	sld [smem:$0x3FDB];
	s0 =	simm.s32 @p2 $0x1  }
0x17: {  	s4 =	simm.s32 $0x1BF5;
	[smem:$0x3FB9] =	sst s0  }
0x18: {  	s0 =	sld [smem:$0x3F9C];
	_ =	swait.ge [sflag:s4], $0x0  }
0x19: {  	s7 =	sld [smem:$0x3F9D]  }
0x1a: {  	s8 =	sadd.s32 $0xFFFFE003, lr  }
0x1b: {  	s9 =	sadd.s32 $0xFFFFFEF7, lr;
	s5 =	simm.s32 $0xFFFFFFFF;
	p2 =	slt.u32 s8, $0xFFFFF086  }
0x1c: {  	p1 =	slt.u32 s9, $0xF7A;
	s5 =	simm.s32 @!p2 $0x0  }
0x1d: {  	s5 =	simm.s32 @p1 $0x1;
	p0 =	seq.s32 s7, s2  }
0x1e: {  	s7 =	smul.u32 @!p0 $0xF7A, s2;
	p2 =	seq.s32 @!p0 s5, $0x0  }
0x1f: {  	s9 =	smul.u32 $0xF7A, s1;
	s8 =	simm.s32 @!p0 $0x1BF5;
	p2 =	por !p2, p0  }
0x20: {  	[sflag:s8] =	ssyncset.s32 @!p0 $0xFFFFF086;
	s6 =	sadd.s32 @!p0 s3, s7;
	s7 =	simm.s32 @!p0 $0x108  }
0x21: {  	s3 =	sadd.s32 s3, s9;
	s6 =	sadd.s32 @!p0 $0x88, s6;
	s7 =	simm.s32 @p2 $0x1082  }
0x22: {  	[simem:s7], [sflag:s8] =	dma.local @!p0 [hbm:s6], $0xF7A  }
0x23: {  	s9 =	sor.u32 $0xD0000000, s2;
	s6 =	simm.s32 $0x108;
	_ =	swait.ge @!p0 [sflag:s8], $0x0  }
0x24: {  	s3 =	sadd.s32 $0x88, s3;
	s6 =	simm.s32 @!p1 $0x1082;
	[sflag:s4] =	ssyncset.s32 $0xFFFFF086  }
0x25: {  	[simem:s6], [sflag:s4] =	dma.local [hbm:s3], $0xF7A  }
0x26: {  	[smem:$0x3F9D] =	sst s1;
	(tag) =	ssettag s2;
	_ =	strace s9  }
0x27: {  	s1 =	sld [smem:$0x3FAD]  }
0x28: {  	s2 =	sld [smem:$0x3FAE]  }
0x29: {  	s4 =	sld [smem:$0x3FB0]  }
0x2a: {  	p0 =	seq.s32 s5, $0x0;
	s5 =	sld [smem:$0x3FB1]  }
0x2b: {  	s6 =	sld [smem:$0x3FB2]  }
0x2c: {  	s7 =	sld [smem:$0x3FB3]  }
0x2d: {  	s3 =	simm.s32 $0x108;
	s8 =	sld [smem:$0x3FB4]  }
0x2e: {  	s3 =	simm.s32 @!p0 $0x1082;
	s9 =	sld [smem:$0x3FB5]  }
0x2f: {  	lr =	sadd.s32 s0, s3;
	s0 =	sld [smem:$0x3FAC]  }
0x30: {  	s3 =	sld [smem:$0x3FAF]  }
0x31: {  	[smem:$0x3FB8] =	sst s10  }
0x32: {  	s10 =	sld [smem:$0x3FB6];
	_ =	sdelay $0x3  }
0x33: {  	p0 =	seq.s32 s10, $0x1;
	s10 =	sld [smem:$0x3FB8];
	_ =	sdelay $0x3  }
0x34: {  	[smem:$0x3FB8] =	sst s10  }
0x35: {  	s10 =	sld [smem:$0x3FB7];
	_ =	sdelay $0x3  }
0x36: {  	p1 =	seq.s32 s10, $0x1;
	s10 =	sld [smem:$0x3FB8];
	_ =	sdelay $0x3  }
0x37: {  	[smem:$0x3FB8] =	sst s10  }
0x38: {  	s10 =	sld [smem:$0x3FB9]  }
0x39: {  	_ = 	snop;
	(pc) =	sbr.ind lr, $3  }
0x3a: {  	_ = 	snop  }
0x3b: {  	_ = 	snop  }
0x3c: {  	p2 =	seq.s32 s10, $0x1;
	s10 =	sld [smem:$0x3FB8]  }
0x3d: {  	_ =	shalt  }
0x3e: {  	_ =	shalt  }
0x3f: {  	_ =	shalt  }
0x40: {  	_ =	shalt  }
0x41: {  	_ =	shalt  }
0x42: {  	_ =	shalt  }
0x43: {  	_ =	shalt  }
0x44: {  	_ =	shalt  }
0x45: {  	_ =	shalt  }
0x46: {  	_ =	shalt  }
0x47: {  	_ =	shalt  }
0x48: {  	_ =	shalt  }
0x49: {  	_ =	shalt  }
0x4a: {  	_ =	shalt  }
0x4b: {  	_ =	shalt  }
0x4c: {  	_ =	shalt  }
0x4d: {  	_ =	shalt  }
0x4e: {  	_ =	shalt  }
0x4f: {  	_ =	shalt  }
0x50: {  	_ =	shalt  }
0x51: {  	_ =	shalt  }
0x52: {  	_ =	shalt  }
0x53: {  	_ =	shalt  }
0x54: {  	_ =	shalt  }
0x55: {  	_ =	shalt  }
0x56: {  	_ =	shalt  }
0x57: {  	_ =	shalt  }
0x58: {  	_ =	shalt  }
0x59: {  	_ =	shalt  }
0x5a: {  	_ =	shalt  }
0x5b: {  	_ =	shalt  }
0x5c: {  	_ =	shalt  }
0x5d: {  	_ =	shalt  }
0x5e: {  	_ =	shalt  }
0x5f: {  	_ =	shalt  }
0x60: {  	_ =	shalt  }
0x61: {  	_ =	shalt  }
0x62: {  	_ =	shalt  }
0x63: {  	_ =	shalt  }
0x64: {  	_ =	shalt  }
0x65: {  	_ =	shalt  }
0x66: {  	_ =	shalt  }
0x67: {  	_ =	shalt  }
0x68: {  	_ =	shalt  }
0x69: {  	_ =	shalt  }
0x6a: {  	_ =	shalt  }
0x6b: {  	_ =	shalt  }
0x6c: {  	_ =	shalt  }
0x6d: {  	_ =	shalt  }
0x6e: {  	_ =	shalt  }
0x6f: {  	_ =	shalt  }
0x70: {  	_ =	shalt  }
0x71: {  	_ =	shalt  }
0x72: {  	_ =	shalt  }
0x73: {  	_ =	shalt  }
0x74: {  	_ =	shalt  }
0x75: {  	_ =	shalt  }
0x76: {  	_ =	shalt  }
0x77: {  	_ =	shalt  }
0x78: {  	_ =	shalt  }
0x79: {  	_ =	shalt  }
0x7a: {  	_ =	shalt  }
0x7b: {  	_ =	shalt  }
0x7c: {  	_ =	shalt  }
0x7d: {  	_ =	shalt  }
0x7e: {  	_ =	shalt  }
0x7f: {  	_ =	shalt  }
0x80: {  	_ =	shalt  }
0x81: {  	_ =	shalt  }
0x82: {  	_ =	shalt  }
0x83: {  	_ =	shalt  }
0x84: {  	_ =	shalt  }
0x85: {  	_ =	shalt  }
0x86: {  	_ =	shalt  }
0x87: {  	_ =	shalt  }
.Lfunc_end0:
.L_simem_size_0:
called_computation.2_lowered:
.L_overlay_start_0:
0x88: {  	s2 =	sld [smem:$0x3FD9]  }
0x89: {  	s3 =	sld [smem:$0x3FFE];
	_ =	sdelay $0x1  }
0x8a: {  	s1 =	srdreg.scid  }
0x8b: {  	s0 =	sand.u32 $0x1, s1  }
0x8c: {  	s17 =	sshll.u32 s0, $0xA;
	s2 =	sadd.s32 s3, s2  }
0x8d: {  	s2 =	sadd.s32 s2, s17  }
0x8e: {  	[smem:$0x3FC4] =	sst s2  }
0x8f: {  	_ = 	snop  }
0x90: {  	s2 =	sld [smem:$0x3FD0];
	(tm) =	ssettm $0x1  }
0x91: {  	s18 =	sld [smem:$0x3FFB];
	_ =	sdelay $0x3  }
0x92: {  	_ =	strace s18  }
0x93: {  	s3 =	sld [smem:$0x3FFC];
	_ =	sdelay $0x3  }
0x94: {  	_ =	strace s3  }
0x95: {  	s3 =	sld [smem:$0x3FFD];
	_ =	sdelay $0x3  }
0x96: {  	_ =	strace s3  }
0x97: {  	_ =	strace $0x8FFFFFFF  }
0x98: {  	s19 =	sld [smem:$0x3FDB];
	_ =	sdelay $0x1  }
0x99: {  	s4 =	simm.s32 $_scs_section_size  }
0x9a: {  	s5 =	simm.s32 $_size__tile_overlayer_lowered;
	s6 =	simm.s32 $_tile_overlayer_lowered  }
0x9b: {  	s22 =	simm.s32 $0x1BFF;
	s21 =	sshll.u32 s6, $0x1;
	s3 =	sadd.s32 s4, s19  }
0x9c: {  	s7 =	simm.s32 $0x0;
	s20 =	sshll.u32 s5, $0x1;
	s5 =	sadd.s32 s21, s3  }
0x9d: {  	[timem:s7], [sflag:s22] =	dma.local [hbm:s5], s20  }
0x9e: {  	_ =	swait.ge [sflag:s22], s20  }
0x9f: {  	s4 =	ssub.s32 $0x0, s20;
	[sflag:s22] =	ssyncset.done $0x0  }
0xa0: {  	[sflag:s22] =	ssyncadd.s32 s4;
	_ =	sdelay $0x1  }
0xa1: {  	s23 =	simm.s32 $0x1B8B  }
0xa2: {  	_ =	swait.ge [sflag:s23], $0x1  }
0xa3: {  	[sflag:s23] =	ssyncset.done $0x0  }
0xa4: {  	s25 =	simm.s32 $0x1B8E;
	s24 =	sld [smem:$0x3FFE];
	[sflag:s23] =	ssyncadd.s32 $0xFFFFFFFF  }
0xa5: {  	s26 =	simm.s32 $execute0_lowered;
	[smem:$0x3FD2] =	sst s25  }
0xa6: {  	s5 =	sshll.u32 s26, $0x1;
	_ =	strace $0x8000004C;
	[dreg:$0x1] =	wrdreg $0xFFFFFFFF  }
0xa7: {  	s28 =	simm.s32 $_size_execute0_lowered;
	s3 =	sadd.s32 s3, s5;
	[dreg:$0x0] =	wrdreg $0x0  }
0xa8: {  	s5 =	sshll.u32 s28, $0x1;
	[dreg:$0x2] =	wrdreg s3  }
0xa9: {  	[dreg:$0x3] =	wrdreg s5  }
0xaa: {  	[dreg:$0x4] =	wrdreg $0xC0  }
0xab: {  	_ =	task [dreg:s7], $0x5FFFF  }
0xac: {  	[dreg:$0x1] =	wrdreg $0xFFFFFFFF  }
0xad: {  	[dreg:$0x0] =	wrdreg $0x60  }
0xae: {  	[dreg:$0x2] =	wrdreg s2  }
0xaf: {  	[dreg:$0x3] =	wrdreg s24  }
0xb0: {  	[dreg:$0x4] =	wrdreg $0xB7800  }
0xb1: {  	[dreg:$0x5] =	wrdreg $0x9  }
0xb2: {  	_ =	task.clear_ibuf [dreg:s7], $0x6FFFF;
	_ =	strace $0x9000004C  }
0xb3: {  	s29 =	simm.s32 $0x9;
	_ =	strace $0x8000004E  }
0xb4: {  	_ =	swait.ge [sflag:s29], $0x1  }
0xb5: {  	[sflag:s29] =	ssyncadd.s32 $0xFFFFFFFF  }
0xb6: {  	_ =	strace $0x9000004E  }
0xb7: {  	_ =	sfence  }
0xb8: {  	s30 =	sld [smem:$0x0];
	_ =	sdelay $0x2  }
0xb9: {  	s31 =	sshll.u32 s1, $0xD;
	s1 =	sshrl.u32 s1, $0x2  }
0xba: {  	s3 =	sand.u32 $0x4000, s31;
	s1 =	sadd.s32 s1, s30  }
0xbb: {  	s0 =	sor.u32 s3, s0;
	s1 =	sshll.u32 s1, $0x11  }
0xbc: {  	s0 =	sor.u32 s1, s0  }
0xbd: {  	s0 =	sadd.s32 $0x8F2B, s0  }
0xbe: {  	[sflag:s0] =	ssyncadd.remote.s32 $0x1  }
0xbf: {  	_ =	sfence.sel $0xFFFF  }
0xc0: {  	[dreg:$0x0] =	wrdreg $0xFFFFFFFF;
	(pc) =	sbr.abs _section_cstart, $3  }
0xc1: {  	[dreg:$0x1] =	wrdreg $0xFFFFFFFF  }
0xc2: {  	_ =	task.clear_ibuf [dreg:s7], $0x2FFFF;
	_ =	strace $0x9FFFFFFF  }
0xc3: {  	(tm) =	ssettm $0x7FFFFFFF  }
tec
execute0_lowered:
.L_overlay_start_1:
0x0: {  	(tag) =	ssettag $0x1  }
0x1: {  	s1 =	rddreg [dreg:$0x0]  }
0x2: {  	s2 =	srdreg.scid;
	s6 =	rddreg [dreg:$0x1]  }
0x3: {  	s0 =	stileid.u32;
	s3 =	rddreg [dreg:$0x2];
	s4 =	simm.s32 $0x0  }
0x4: {  	s12 =	simm.s32 $0x3;
	s13 =	simm.s32 $0x2780;
	s17 =	simm.s32 $0x6780  }
0x5: {  	s18 =	simm.s32 $0x50;
	s19 =	simm.s32 $0x8F80;
	s20 =	simm.s32 $0x1  }
0x6: {  	s21 =	simm.s32 $0x4;
	s22 =	simm.s32 $0x2;
	s23 =	simm.s32 $0x6580  }
0x7: {  	s25 =	simm.s32 $0x0;
	s5 =	sand.u32 $0x1, s2;
	s26 =	sshll.u32 s0, $0x1  }
0x8: {  	s28 =	sshrl.u32 s0, $0x2;
	s2 =	rddreg [dreg:$0x3];
	s11 =	smul.u32 $0x4E000, s0  }
0x9: {  	[smem:$0x7FF] =	sst s4;
	s16 =	sadd.s32 $0x138000, s3;
	s24 =	smul.u32 $0x2700, s0  }
0xa: {  	p0 =	sne.s32 s0, $0xF;
	s14 =	sshll.u32 s0, $0x6;
	s8 =	smul.u32 $0x13C00, s28  }
0xb: {  	s7 =	sor.u32 s5, s26;
	_ =	strace $0x8000004D;
	s29 =	smul.u32 $0x27100, s5  }
0xc: {  	s10 =	ssub.s32 $0x2, s5;
	s5 =	sadd.s32 $0x1C00, s6;
	s14 =	sor.u32 $0x1C03, s14  }
0xd: {  	s16 =	sshrl.u32 @!p0 s16, $0x3;
	s9 =	sshll.u32 s7, $0x7;
	s7 =	sshll.u32 s7, $0xB  }
0xe: {  	s30 =	sshrl.u32 s10, $0x1;
	s31 =	sshrl.u32 s11, $0x2;
	s9 =	sand.u32 $0x380, s9  }
0xf: {  	s11 =	simm.s32 $0x400;
	s7 =	sadd.s32 s7, s6;
	s8 =	sor.u32 s8, s9  }
0x10: {  	s10 =	ssub.s32 s10, s30;
	s15 =	sadd.s32 s31, s3;
	s8 =	sshrl.u32 s8, $0x3  }
0x11: {  	s9 =	sadd.s32 s29, s6;
	s7 =	sadd.s32 $0xBA00, s7;
	s8 =	sadd.s32 s8, s6  }
0x12: {  	s15 =	sshrl.u32 s15, $0x3;
	s6 =	sadd.s32 $0x1BA00, s8;
	s8 =	sadd.s32 $0x25800, s9  }
0x13: {  	s9 =	smax.u32 s10, $0x1;
	s10 =	simm.s32 $0x80;
	s24 =	sadd.s32 s24, s8  }
.LBB2_1:
0x14: {  	[tilespmem:s4], [sflag:$0x3] =	stream.strided.gather [hbm4b:s6+s10], $0x2780, s11, s10, $0x38;
	[tilespmem:$0x1F000] =	vst v63  }
0x15: {  	_ =	swait.ge [sflag:s12], $0x2780  }
0x16: {  	[sflag:s12] =	ssyncset.done $0x0  }
0x17: {  	[sflag:s12] =	ssyncadd.s32 $0xFFFFD880  }
0x18: {  	[tilespmem:s13], [sflag:$0x3] =	stream.linear.gather [hbm4b:s7+s4], $0x3E80, $0x38;
	[tilespmem:$0x1F000] =	vst v63  }
0x19: {  	_ =	swait.ge [sflag:s12], $0x3E80  }
0x1a: {  	[sflag:s12] =	ssyncset.done $0x0  }
0x1b: {  	[sflag:s12] =	ssyncadd.s32 $0xFFFFC180  }
0x1c: {  	[spmem:s15], [sflag:s14] =	dma.local [hbm:s5], $0x2700  }
0x1d: {  	_ =	swait.ge [sflag:s12], $0x2700  }
0x1e: {  	[sflag:s12] =	ssyncset.done $0x0  }
0x1f: {  	s26 =	simm.s32 @!p0 $0x3;
	[sflag:s12] =	ssyncadd.s32 $0xFFFFD900  }
0x20: {  	[spmem:s16], [sflag:s14] =	dma.local @!p0 [hbm:s5], $0x100  }
0x21: {  	_ =	swait.ge @!p0 [sflag:s26], $0x100  }
0x22: {  	[sflag:s26] =	ssyncset.done @!p0 $0x0  }
0x23: {  	[sflag:s26] =	ssyncadd.s32 @!p0 $0xFFFFFF00  }
0x24: {  	[bflag:$0x0] =	sbarrier.arrive $0xFFFF  }
0x25: {  	[tilespmem:s17], [sflag:$0x1] =	stream.indirect.gather [hbm4b:s1+s18], $0x80, s4, s18, $0xb8;
	[tilespmem:$0x1F000] =	vst v63  }
0x26: {  	_ = 	snop  }
0x27: {  	[tilespmem:s19], [sflag:$0x2] =	stream.indirect.gather [hbm4b:s1+s18], $0x80, s18, s18, $0xb8;
	[tilespmem:$0x1F000] =	vst v63  }
0x28: {  	_ =	swait.ge [sflag:s20], $0x2800  }
0x29: {  	[sflag:s20] =	ssyncset.done $0x0  }
0x2a: {  	s29 =	simm.s32 $0x2780;
	[sflag:s20] =	ssyncadd.s32 $0xFFFFD800  }
0x2b: {  	[spmem:s3] =	stream.indirect.scatter.add.f32 [tilespmem:s17], [sflag:$0x4], $0x80, s29, s18, $0xb8;
	[tilespmem:$0x1F000] =	vst v63  }
0x2c: {  	_ =	swait.ge [sflag:s21], $0x2800  }
0x2d: {  	[sflag:s21] =	ssyncset.done $0x0  }
0x2e: {  	s30 =	simm.s32 $0xA0;
	[sflag:s21] =	ssyncadd.s32 $0xFFFFD800  }
0x2f: {  	[tilespmem:s17], [sflag:$0x1] =	stream.indirect.gather [hbm4b:s1+s18], $0x80, s30, s18, $0xb8;
	[tilespmem:$0x1F000] =	vst v63  }
0x30: {  	_ =	swait.ge [sflag:s22], $0x2800  }
0x31: {  	[sflag:s22] =	ssyncset.done $0x0  }
0x32: {  	s31 =	simm.s32 $0x2800;
	[sflag:s22] =	ssyncadd.s32 $0xFFFFD800  }
0x33: {  	[spmem:s3] =	stream.indirect.scatter.add.f32 [tilespmem:s19], [sflag:$0x3], $0x80, s31, s18, $0xb8;
	[tilespmem:$0x1F000] =	vst v63  }
0x34: {  	_ =	swait.ge [sflag:s12], $0x2800  }
0x35: {  	s28 =	simm.s32 $0x50;
	s26 =	simm.s32 $0x400;
	[sflag:s12] =	ssyncset.done $0x0  }
.LBB2_2:
0x36: {  	p1 =	sne.s32 s26, $0xF400;
	[sflag:s12] =	ssyncadd.s32 $0xFFFFD800;
	s28 =	sadd.s32 $0xA0, s28  }
0x37: {  	[tilespmem:s19], [sflag:$0x2] =	stream.indirect.gather [hbm4b:s1+s18], $0x80, s28, s18, $0xb8;
	[tilespmem:$0x1F000] =	vst v63  }
0x38: {  	s29 =	smov.u32 s26;
	s26 =	sadd.s32 $0x400, s26;
	_ =	swait.ge [sflag:s20], $0x2800  }
0x39: {  	s29 =	sshra.s32 s29, $0x2;
	[sflag:s20] =	ssyncset.done $0x0  }
0x3a: {  	s30 =	sadd.s32 $0x2780, s29;
	[sflag:s20] =	ssyncadd.s32 $0xFFFFD800  }
0x3b: {  	[spmem:s3] =	stream.indirect.scatter.add.f32 [tilespmem:s17], [sflag:$0x4], $0x80, s30, s18, $0xb8;
	[tilespmem:$0x1F000] =	vst v63  }
0x3c: {  	_ =	swait.ge [sflag:s21], $0x2800  }
0x3d: {  	[sflag:s21] =	ssyncset.done $0x0  }
0x3e: {  	s30 =	sadd.s32 $0x50, s28;
	[sflag:s21] =	ssyncadd.s32 $0xFFFFD800  }
0x3f: {  	[tilespmem:s17], [sflag:$0x1] =	stream.indirect.gather [hbm4b:s1+s18], $0x80, s30, s18, $0xb8;
	[tilespmem:$0x1F000] =	vst v63  }
0x40: {  	_ =	swait.ge [sflag:s22], $0x2800  }
.Ltmp0:
0x41: {  	[sflag:s22] =	ssyncset.done $0x0;
	(pc) =	sbr.rel @p1 .LBB2_2-.Ltmp0, $4  }
0x42: {  	s29 =	sadd.s32 $0x2800, s29;
	[sflag:s22] =	ssyncadd.s32 $0xFFFFD800  }
0x43: {  	[spmem:s3] =	stream.indirect.scatter.add.f32 [tilespmem:s19], [sflag:$0x3], $0x80, s29, s18, $0xb8;
	[tilespmem:$0x1F000] =	vst v63  }
0x44: {  	_ =	swait.ge [sflag:s12], $0x2800  }
0x45: {  	[sflag:s12] =	ssyncset.done $0x0  }
0x46: {  	[sflag:s12] =	ssyncadd.s32 $0xFFFFD800  }
0x47: {  	_ =	swait.ge [sflag:s20], $0x2800  }
0x48: {  	[sflag:s20] =	ssyncset.done $0x0  }
0x49: {  	[sflag:s20] =	ssyncadd.s32 $0xFFFFD800  }
0x4a: {  	[spmem:s3] =	stream.indirect.scatter.add.f32 [tilespmem:s17], [sflag:$0x4], $0x80, s23, s18, $0xb8;
	[tilespmem:$0x1F000] =	vst v63  }
0x4b: {  	_ =	swait.ge [sflag:s21], $0x2800  }
0x4c: {  	[sflag:s21] =	ssyncset.done $0x0  }
0x4d: {  	[sflag:s21] =	ssyncadd.s32 $0xFFFFD800  }
0x4e: {  	[bflag:$0x0] =	sbarrier.arrive $0xFFFF  }
0x4f: {  	[hbm:s24], [sflag:s14] =	dma.local [spmem:s15], $0x2700  }
0x50: {  	_ =	swait.ge [sflag:s12], $0x2700  }
0x51: {  	s25 =	sadd.s32 $0x1, s25;
	[sflag:s12] =	ssyncset.done $0x0  }
0x52: {  	s26 =	sadd.s32 @!p0 $0x27000, s8;
	p1 =	sne.s32 s25, s9;
	[sflag:s12] =	ssyncadd.s32 $0xFFFFD900  }
0x53: {  	[hbm:s26], [sflag:s14] =	dma.local @!p0 [spmem:s16], $0x100  }
.Ltmp1:
0x54: {  	_ = 	snop;
	(pc) =	sbr.rel @p1 .LBB2_1-.Ltmp1, $4  }
0x55: {  	s26 =	simm.s32 @!p0 $0x3  }
0x56: {  	_ =	swait.ge @!p0 [sflag:s26], $0x100  }
0x57: {  	[sflag:s26] =	ssyncset.done @!p0 $0x0  }
0x58: {  	[sflag:s26] =	ssyncadd.s32 @!p0 $0xFFFFFF00  }
0x59: {  	_ =	sfence.sel $0x180000  }
0x5a: {  	[bflag:$0x0] =	sbarrier.arrive $0xFFFF  }
0x5b: {  	p0 =	sne.s32 s0, $0x0;
	_ =	strace $0x9000004D  }
0x5c: {  	s0 =	sadd.s32 @!p0 $0x100000, s2;
	[bflag:$0x2] =	sbarrier.arrive $0xFFFF  }
0x5d: {  	[sflag:s0] =	ssyncadd.tile.s32 @!p0 $0x1;
	_ =	shalt  }
.Lfunc_end2:
_tile_overlayer_lowered:
.L_overlay_start_2:
0x5e: {  	(tag) =	ssettag $0x2  }
0x5f: {  	s0 =	rddreg [dreg:$0x0];
	s2 =	stileid.u32  }
0x60: {  	s1 =	rddreg [dreg:$0x1];
	p0 =	sne.s32 s2, $0x0  }
0x61: {  	s3 =	rddreg [dreg:$0x2];
	[bflag:$0x3] =	sbarrier.arrive $0xFFFF;
	s2 =	simm.s32 @!p0 $0x1C03  }
0x62: {  	[timem:s3], [sflag:s2] =	dma.local @!p0 [hbm:s0], s1  }
0x63: {  	s0 =	simm.s32 @!p0 $0x3  }
0x64: {  	_ =	swait.ge @!p0 [sflag:s0], s1  }
0x65: {  	s1 =	ssub.s32 @!p0 $0x0, s1;
	[sflag:s0] =	ssyncset.done @!p0 $0x0  }
0x66: {  	[sflag:s0] =	ssyncadd.s32 @!p0 s1  }
0x67: {  	[bflag:$0x3] =	sbarrier.arrive $0xFFFF  }
0x68: {  	_ =	shalt  }

// kernel: kernel.8.cloned.1.call-start
scs
__scs_entry_jumppad:
0x0: {  	(pc) =	sbr.rel $0x88, $3  }
0x1: {  	(tag) =	ssettag $0x0;
	lr =	simm.s32 $0x1  }
0x2: {  	[smem:$0x3F9D] =	sst lr;
	_ =	strace $0xD0000000  }
0x3: {  	_ = 	snop  }
0x4: {  	_ = 	snop  }
0x5: {  	_ = 	snop  }
0x6: {  	_ = 	snop  }
0x7: {  	_ = 	snop  }
__scs_overlays_trampoline_lowered:
0x8: {  	[smem:$0x3FAC] =	sst s0  }
0x9: {  	[smem:$0x3FAD] =	sst s1  }
0xa: {  	[smem:$0x3FAE] =	sst s2  }
0xb: {  	[smem:$0x3FAF] =	sst s3  }
0xc: {  	[smem:$0x3FB0] =	sst s4  }
0xd: {  	[smem:$0x3FB1] =	sst s5  }
0xe: {  	[smem:$0x3FB2] =	sst s6  }
0xf: {  	[smem:$0x3FB3] =	sst s7  }
0x10: {  	[smem:$0x3FB4] =	sst s8  }
0x11: {  	[smem:$0x3FB5] =	sst s9;
	s0 =	simm.s32 @!p0 $0x0  }
0x12: {  	s1 =	sld [smem:$0x3F9B];
	s0 =	simm.s32 @p0 $0x1  }
0x13: {  	[smem:$0x3FB6] =	sst s0;
	s0 =	simm.s32 @!p1 $0x0  }
0x14: {  	s2 =	sld [smem:$0x3F9A];
	s0 =	simm.s32 @p1 $0x1  }
0x15: {  	[smem:$0x3FB7] =	sst s0;
	s0 =	simm.s32 @!p2 $0x0  }
0x16: {  	s3 =	sld [smem:$0x3FDB];
	s0 =	simm.s32 @p2 $0x1  }
0x17: {  	s4 =	simm.s32 $0x1BF5;
	[smem:$0x3FB9] =	sst s0  }
0x18: {  	s0 =	sld [smem:$0x3F9C];
	_ =	swait.ge [sflag:s4], $0x0  }
0x19: {  	s7 =	sld [smem:$0x3F9D]  }
0x1a: {  	s8 =	sadd.s32 $0xFFFFE003, lr  }
0x1b: {  	s9 =	sadd.s32 $0xFFFFFEF7, lr;
	s5 =	simm.s32 $0xFFFFFFFF;
	p2 =	slt.u32 s8, $0xFFFFF086  }
0x1c: {  	p1 =	slt.u32 s9, $0xF7A;
	s5 =	simm.s32 @!p2 $0x0  }
0x1d: {  	s5 =	simm.s32 @p1 $0x1;
	p0 =	seq.s32 s7, s2  }
0x1e: {  	s7 =	smul.u32 @!p0 $0xF7A, s2;
	p2 =	seq.s32 @!p0 s5, $0x0  }
0x1f: {  	s9 =	smul.u32 $0xF7A, s1;
	s8 =	simm.s32 @!p0 $0x1BF5;
	p2 =	por !p2, p0  }
0x20: {  	[sflag:s8] =	ssyncset.s32 @!p0 $0xFFFFF086;
	s6 =	sadd.s32 @!p0 s3, s7;
	s7 =	simm.s32 @!p0 $0x108  }
0x21: {  	s3 =	sadd.s32 s3, s9;
	s6 =	sadd.s32 @!p0 $0x88, s6;
	s7 =	simm.s32 @p2 $0x1082  }
0x22: {  	[simem:s7], [sflag:s8] =	dma.local @!p0 [hbm:s6], $0xF7A  }
0x23: {  	s9 =	sor.u32 $0xD0000000, s2;
	s6 =	simm.s32 $0x108;
	_ =	swait.ge @!p0 [sflag:s8], $0x0  }
0x24: {  	s3 =	sadd.s32 $0x88, s3;
	s6 =	simm.s32 @!p1 $0x1082;
	[sflag:s4] =	ssyncset.s32 $0xFFFFF086  }
0x25: {  	[simem:s6], [sflag:s4] =	dma.local [hbm:s3], $0xF7A  }
0x26: {  	[smem:$0x3F9D] =	sst s1;
	(tag) =	ssettag s2;
	_ =	strace s9  }
0x27: {  	s1 =	sld [smem:$0x3FAD]  }
0x28: {  	s2 =	sld [smem:$0x3FAE]  }
0x29: {  	s4 =	sld [smem:$0x3FB0]  }
0x2a: {  	p0 =	seq.s32 s5, $0x0;
	s5 =	sld [smem:$0x3FB1]  }
0x2b: {  	s6 =	sld [smem:$0x3FB2]  }
0x2c: {  	s7 =	sld [smem:$0x3FB3]  }
0x2d: {  	s3 =	simm.s32 $0x108;
	s8 =	sld [smem:$0x3FB4]  }
0x2e: {  	s3 =	simm.s32 @!p0 $0x1082;
	s9 =	sld [smem:$0x3FB5]  }
0x2f: {  	lr =	sadd.s32 s0, s3;
	s0 =	sld [smem:$0x3FAC]  }
0x30: {  	s3 =	sld [smem:$0x3FAF]  }
0x31: {  	[smem:$0x3FB8] =	sst s10  }
0x32: {  	s10 =	sld [smem:$0x3FB6];
	_ =	sdelay $0x3  }
0x33: {  	p0 =	seq.s32 s10, $0x1;
	s10 =	sld [smem:$0x3FB8];
	_ =	sdelay $0x3  }
0x34: {  	[smem:$0x3FB8] =	sst s10  }
0x35: {  	s10 =	sld [smem:$0x3FB7];
	_ =	sdelay $0x3  }
0x36: {  	p1 =	seq.s32 s10, $0x1;
	s10 =	sld [smem:$0x3FB8];
	_ =	sdelay $0x3  }
0x37: {  	[smem:$0x3FB8] =	sst s10  }
0x38: {  	s10 =	sld [smem:$0x3FB9]  }
0x39: {  	_ = 	snop;
	(pc) =	sbr.ind lr, $3  }
0x3a: {  	_ = 	snop  }
0x3b: {  	_ = 	snop  }
0x3c: {  	p2 =	seq.s32 s10, $0x1;
	s10 =	sld [smem:$0x3FB8]  }
0x3d: {  	_ =	shalt  }
0x3e: {  	_ =	shalt  }
0x3f: {  	_ =	shalt  }
0x40: {  	_ =	shalt  }
0x41: {  	_ =	shalt  }
0x42: {  	_ =	shalt  }
0x43: {  	_ =	shalt  }
0x44: {  	_ =	shalt  }
0x45: {  	_ =	shalt  }
0x46: {  	_ =	shalt  }
0x47: {  	_ =	shalt  }
0x48: {  	_ =	shalt  }
0x49: {  	_ =	shalt  }
0x4a: {  	_ =	shalt  }
0x4b: {  	_ =	shalt  }
0x4c: {  	_ =	shalt  }
0x4d: {  	_ =	shalt  }
0x4e: {  	_ =	shalt  }
0x4f: {  	_ =	shalt  }
0x50: {  	_ =	shalt  }
0x51: {  	_ =	shalt  }
0x52: {  	_ =	shalt  }
0x53: {  	_ =	shalt  }
0x54: {  	_ =	shalt  }
0x55: {  	_ =	shalt  }
0x56: {  	_ =	shalt  }
0x57: {  	_ =	shalt  }
0x58: {  	_ =	shalt  }
0x59: {  	_ =	shalt  }
0x5a: {  	_ =	shalt  }
0x5b: {  	_ =	shalt  }
0x5c: {  	_ =	shalt  }
0x5d: {  	_ =	shalt  }
0x5e: {  	_ =	shalt  }
0x5f: {  	_ =	shalt  }
0x60: {  	_ =	shalt  }
0x61: {  	_ =	shalt  }
0x62: {  	_ =	shalt  }
0x63: {  	_ =	shalt  }
0x64: {  	_ =	shalt  }
0x65: {  	_ =	shalt  }
0x66: {  	_ =	shalt  }
0x67: {  	_ =	shalt  }
0x68: {  	_ =	shalt  }
0x69: {  	_ =	shalt  }
0x6a: {  	_ =	shalt  }
0x6b: {  	_ =	shalt  }
0x6c: {  	_ =	shalt  }
0x6d: {  	_ =	shalt  }
0x6e: {  	_ =	shalt  }
0x6f: {  	_ =	shalt  }
0x70: {  	_ =	shalt  }
0x71: {  	_ =	shalt  }
0x72: {  	_ =	shalt  }
0x73: {  	_ =	shalt  }
0x74: {  	_ =	shalt  }
0x75: {  	_ =	shalt  }
0x76: {  	_ =	shalt  }
0x77: {  	_ =	shalt  }
0x78: {  	_ =	shalt  }
0x79: {  	_ =	shalt  }
0x7a: {  	_ =	shalt  }
0x7b: {  	_ =	shalt  }
0x7c: {  	_ =	shalt  }
0x7d: {  	_ =	shalt  }
0x7e: {  	_ =	shalt  }
0x7f: {  	_ =	shalt  }
0x80: {  	_ =	shalt  }
0x81: {  	_ =	shalt  }
0x82: {  	_ =	shalt  }
0x83: {  	_ =	shalt  }
0x84: {  	_ =	shalt  }
0x85: {  	_ =	shalt  }
0x86: {  	_ =	shalt  }
0x87: {  	_ =	shalt  }
.Lfunc_end0:
.L_simem_size_0:
called_computation_lowered:
.L_overlay_start_0:
0x88: {  	s2 =	sld [smem:$0x3FD9]  }
0x89: {  	s3 =	sld [smem:$0x3FFE];
	_ =	sdelay $0x1  }
0x8a: {  	s1 =	srdreg.scid  }
0x8b: {  	s0 =	sand.u32 $0x1, s1  }
0x8c: {  	s17 =	sshll.u32 s0, $0xA;
	s2 =	sadd.s32 s3, s2  }
0x8d: {  	s2 =	sadd.s32 s2, s17  }
0x8e: {  	[smem:$0x3FC4] =	sst s2  }
0x8f: {  	_ = 	snop  }
0x90: {  	s2 =	sld [smem:$0x3FD0];
	(tm) =	ssettm $0x1  }
0x91: {  	s18 =	sld [smem:$0x3FFB];
	_ =	sdelay $0x3  }
0x92: {  	_ =	strace s18  }
0x93: {  	s3 =	sld [smem:$0x3FFC];
	_ =	sdelay $0x3  }
0x94: {  	_ =	strace s3  }
0x95: {  	s3 =	sld [smem:$0x3FFD];
	_ =	sdelay $0x3  }
0x96: {  	_ =	strace s3  }
0x97: {  	_ =	strace $0x8FFFFFFF  }
0x98: {  	s19 =	sld [smem:$0x3FDB];
	_ =	sdelay $0x1  }
0x99: {  	s4 =	simm.s32 $_scs_section_size  }
0x9a: {  	s5 =	simm.s32 $_size__tile_overlayer_lowered;
	s6 =	simm.s32 $_tile_overlayer_lowered  }
0x9b: {  	s22 =	simm.s32 $0x1BFF;
	s21 =	sshll.u32 s6, $0x1;
	s3 =	sadd.s32 s4, s19  }
0x9c: {  	s7 =	simm.s32 $0x0;
	s20 =	sshll.u32 s5, $0x1;
	s5 =	sadd.s32 s21, s3  }
0x9d: {  	[timem:s7], [sflag:s22] =	dma.local [hbm:s5], s20  }
0x9e: {  	_ =	swait.ge [sflag:s22], s20  }
0x9f: {  	s4 =	ssub.s32 $0x0, s20;
	[sflag:s22] =	ssyncset.done $0x0  }
0xa0: {  	[sflag:s22] =	ssyncadd.s32 s4;
	_ =	sdelay $0x1  }
0xa1: {  	s23 =	simm.s32 $0x1B8B  }
0xa2: {  	_ =	swait.ge [sflag:s23], $0x1  }
0xa3: {  	[sflag:s23] =	ssyncset.done $0x0  }
0xa4: {  	s25 =	simm.s32 $0x1B8E;
	s24 =	sld [smem:$0x3FFE];
	[sflag:s23] =	ssyncadd.s32 $0xFFFFFFFF  }
0xa5: {  	s26 =	simm.s32 $execute0_lowered;
	[smem:$0x3FD2] =	sst s25  }
0xa6: {  	s5 =	sshll.u32 s26, $0x1;
	_ =	strace $0x80000046;
	[dreg:$0x1] =	wrdreg $0xFFFFFFFF  }
0xa7: {  	s28 =	simm.s32 $_size_execute0_lowered;
	s3 =	sadd.s32 s3, s5;
	[dreg:$0x0] =	wrdreg $0x0  }
0xa8: {  	s5 =	sshll.u32 s28, $0x1;
	[dreg:$0x2] =	wrdreg s3  }
0xa9: {  	[dreg:$0x3] =	wrdreg s5  }
0xaa: {  	[dreg:$0x4] =	wrdreg $0xC0  }
0xab: {  	_ =	task [dreg:s7], $0x5FFFF  }
0xac: {  	[dreg:$0x1] =	wrdreg $0xFFFFFFFF  }
0xad: {  	[dreg:$0x0] =	wrdreg $0x60  }
0xae: {  	[dreg:$0x2] =	wrdreg s2  }
0xaf: {  	[dreg:$0x3] =	wrdreg s24  }
0xb0: {  	[dreg:$0x4] =	wrdreg $0x9  }
0xb1: {  	_ =	task.clear_ibuf [dreg:s7], $0x5FFFF;
	_ =	strace $0x90000046  }
0xb2: {  	s29 =	simm.s32 $0x9;
	_ =	strace $0x80000048  }
0xb3: {  	_ =	swait.ge [sflag:s29], $0x1  }
0xb4: {  	[sflag:s29] =	ssyncadd.s32 $0xFFFFFFFF  }
0xb5: {  	_ =	strace $0x90000048  }
0xb6: {  	_ =	sfence  }
0xb7: {  	s30 =	sld [smem:$0x0];
	_ =	sdelay $0x2  }
0xb8: {  	s31 =	sshll.u32 s1, $0xD;
	s1 =	sshrl.u32 s1, $0x2  }
0xb9: {  	s3 =	sand.u32 $0x4000, s31;
	s1 =	sadd.s32 s1, s30  }
0xba: {  	s0 =	sor.u32 s3, s0;
	s1 =	sshll.u32 s1, $0x11  }
0xbb: {  	s0 =	sor.u32 s1, s0  }
0xbc: {  	s0 =	sadd.s32 $0x8F2B, s0  }
0xbd: {  	[sflag:s0] =	ssyncadd.remote.s32 $0x1  }
0xbe: {  	_ =	sfence.sel $0xFFFF  }
0xbf: {  	[dreg:$0x0] =	wrdreg $0xFFFFFFFF;
	(pc) =	sbr.abs _section_cstart, $3  }
0xc0: {  	[dreg:$0x1] =	wrdreg $0xFFFFFFFF  }
0xc1: {  	_ =	task.clear_ibuf [dreg:s7], $0x2FFFF;
	_ =	strace $0x9FFFFFFF  }
0xc2: {  	(tm) =	ssettm $0x7FFFFFFF  }
0xc3: {  	_ =	shalt  }
tec
execute0_lowered:
.L_overlay_start_1:
0x0: {  	(tag) =	ssettag $0x1  }
0x1: {  	s3 =	rddreg [dreg:$0x0]  }
0x2: {  	s4 =	rddreg [dreg:$0x1]  }
0x3: {  	s1 =	srdreg.scid;
	s0 =	stileid.u32  }
0x4: {  	s9 =	simm.s32 $0x2780;
	s5 =	sand.u32 $0x1, s1;
	s30 =	sshrl.u32 s0, $0x2  }
0x5: {  	s2 =	sshll.u32 s0, $0x8;
	s1 =	rddreg [dreg:$0x2];
	s6 =	smul.u32 $0x13C00, s30  }
0x6: {  	s7 =	sshll.u32 s5, $0x7;
	s8 =	sand.u32 $0x300, s2;
	s2 =	simm.s32 $0x0  }
0x7: {  	s5 =	ssub.s32 $0x2, s5;
	s7 =	sor.u32 s7, s8;
	[smem:$0x7FF] =	sst s2  }
0x8: {  	s31 =	sshrl.u32 s5, $0x1;
	s8 =	simm.s32 $0x1;
	s6 =	sor.u32 s6, s7  }
0x9: {  	_ =	strace $0x80000047;
	s5 =	ssub.s32 s5, s31;
	s6 =	sshrl.u32 s6, $0x3  }
0xa: {  	s7 =	simm.s32 $0x400;
	s5 =	smax.u32 s5, $0x1;
	s4 =	sadd.s32 s6, s4  }
0xb: {  	v0 =	vimm.f32 $0.0e+00;
	v1 =	vimm.f32 $1.000000000e+00;
	s3 =	sadd.s32 s3, s6;
	s6 =	simm.s32 $0x80;
	s4 =	sadd.s32 $0x1C00, s4  }
.LBB2_1:
0xc: {  	s10 =	simm.s32 $0x40;
	s11 =	simm.s32 $0x0  }
.LBB2_2:
0xd: {  	p0 =	sne.s32 s10, $0x9C00;
	[tilespmem:s11+$0x2780] =	vst v0;
	s11 =	smov.u32 s10;
	s10 =	sadd.s32 $0x40, s10  }
.Ltmp0:
0xe: {  	(pc) =	sbr.rel @p0 .LBB2_2-.Ltmp0, $2  }
0xf: {  	_ =	sdelay $0x2  }
0x10: {  	s11 =	sshra.s32 s11, $0x2  }
0x11: {  	[tilespmem:s11+$0x2780] =	vst v0;
	s10 =	simm.s32 $0x0  }
0x12: {  	[tilespmem:s10], [sflag:$0x1] =	stream.strided.gather [hbm4b:s3+s6], $0x2780, s7, s6, $0x38;
	[tilespmem:$0x4F00] =	vst v63  }
0x13: {  	_ =	swait.ge [sflag:s8], $0x2780  }
0x14: {  	[sflag:s8] =	ssyncset.done $0x0  }
0x15: {  	s11 =	simm.s32 $0x0;
	s10 =	simm.s32 $0x40;
	[sflag:s8] =	ssyncadd.s32 $0xFFFFD880  }
.LBB2_4:
0x16: {  	p0 =	sne.s32 s10, $0x9C00;
	v2 =	vld [tilespmem:s11+$0x0];
	_ =	sdelay $0x3  }
.Ltmp1:
0x17: {  	(pc) =	sbr.rel @p0 .LBB2_4-.Ltmp1, $2  }
0x18: {  	_ =	sdelay $0x2  }
0x19: {  	s11 =	sshra.s32 s10, $0x2;
	s10 =	sadd.s32 $0x40, s10;
	[tilespmem:v2+s9+$0x0] =	vst.idx.add.f32.msk $0xffff, v1  }
0x1a: {  	v2 =	vld [tilespmem:s11+$0x0];
	_ =	sdelay $0x5  }
0x1b: {  	s2 =	sadd.s32 $0x1, s2  }
0x1c: {  	p0 =	sne.s32 s2, s5  }
.Ltmp2:
0x1d: {  	[tilespmem:v2+s9+$0x0] =	vst.idx.add.f32.msk $0xffff, v1;
	(pc) =	sbr.rel @p0 .LBB2_1-.Ltmp2, $4  }
0x1e: {  	[hbm4b:s4+s6] =	stream.strided.scatter [tilespmem:s9], [sflag:$0x1], $0x2780, s7, s6, $0x38;
	[tilespmem:$0x4F00] =	vst v63  }
0x1f: {  	_ =	swait.ge [sflag:s8], $0x2780  }
0x20: {  	[sflag:s8] =	ssyncset.done $0x0  }
0x21: {  	[sflag:s8] =	ssyncadd.s32 $0xFFFFD880  }
0x22: {  	_ =	sfence.sel $0x180000  }
0x23: {  	[bflag:$0x0] =	sbarrier.arrive $0xFFFF  }
0x24: {  	p0 =	sne.s32 s0, $0x0;
	_ =	strace $0x90000047  }
0x25: {  	s0 =	sadd.s32 @!p0 $0x100000, s1;
	[bflag:$0x2] =	sbarrier.arrive $0xFFFF  }
0x26: {  	[sflag:s0] =	ssyncadd.tile.s32 @!p0 $0x1;
	_ =	shalt  }
.Lfunc_end2:
_tile_overlayer_lowered:
.L_overlay_start_2:
0x27: {  	(tag) =	ssettag $0x2  }
0x28: {  	s0 =	rddreg [dreg:$0x0];
	s2 =	stileid.u32  }
0x29: {  	s1 =	rddreg [dreg:$0x1];
	p0 =	sne.s32 s2, $0x0  }
0x2a: {  	s3 =	rddreg [dreg:$0x2];
	[bflag:$0x3] =	sbarrier.arrive $0xFFFF;
	s2 =	simm.s32 @!p0 $0x1C01  }
0x2b: {  	[timem:s3], [sflag:s2] =	dma.local @!p0 [hbm:s0], s1  }
0x2c: {  	s0 =	simm.s32 @!p0 $0x1  }
0x2d: {  	_ =	swait.ge @!p0 [sflag:s0], s1  }
0x2e: {  	s1 =	ssub.s32 @!p0 $0x0, s1;
	[sflag:s0] =	ssyncset.done @!p0 $0x0  }
0x2f: {  	[sflag:s0] =	ssyncadd.s32 @!p0 s1  }
0x30: {  	[bflag:$0x3] =	sbarrier.arrive $0xFFFF  }
0x31: {  	_ =	shalt  }

</sc_bundles>
